<compile_context>
chip_gen: v7x
topology: tpu7x:2x2x1
jax: 0.10.2.dev20260603
libtpu: 0.0.44.dev20260713+nightly
codegen_flags: <defaults>
</compile_context>

<pallas_src>
import functools

import jax
import jax.numpy as jnp
from jax import lax
from jax.experimental import pallas as pl
from jax.experimental.pallas import tpu as pltpu
from jax.experimental.pallas import tpu_sc as plsc

T = 4096
F = 1024
O = 1024
E = 8
BM = 512
NB = T // BM
BM_SHIFT = 9
NI = 16

AR = 128
AC = 32

_HI = lax.Precision.HIGHEST


def _meta_body(a_ref, pos_ref, meta_ref):
    a = a_ref[...]
    ic_k = lax.broadcasted_iota(jnp.int32, (AC, AC), 0)
    ic_j = lax.broadcasted_iota(jnp.int32, (AC, AC), 1)
    tri_c = (ic_k <= ic_j).astype(jnp.float32)
    ir_i = lax.broadcasted_iota(jnp.int32, (AR, AR), 0)
    ir_k = lax.broadcasted_iota(jnp.int32, (AR, AR), 1)
    tri_r = (ir_k < ir_i).astype(jnp.float32)

    pos = jnp.zeros((AR, AC), jnp.float32)
    running = jnp.zeros((1, 1), jnp.float32)
    ends = []
    for e in range(E):
        m = (a == e).astype(jnp.float32)
        cum_incl = lax.dot(m, tri_c, precision=_HI)
        row_tot = cum_incl[:, AC - 1:AC]
        row_pref = lax.dot(tri_r, row_tot, precision=_HI)
        excl = cum_incl - m + row_pref
        pos = pos + m * (running + excl)
        running = running + row_pref[AR - 1:AR, :] + row_tot[AR - 1:AR, :]
        ends.append(running)
    pos_ref[...] = pos.astype(jnp.int32)

    lane = lax.broadcasted_iota(jnp.int32, (1, NI), 1)
    cuts = jnp.where(lane < NB, lane.astype(jnp.float32) * BM, jnp.float32(T))
    for k in range(E - 1):
        cuts = jnp.where(lane == NB + k, ends[k], cuts)

    cB = jnp.broadcast_to(cuts, (NI, NI))
    iB = lax.broadcasted_iota(jnp.int32, (NI, NI), 0)
    jB = lax.broadcasted_iota(jnp.int32, (NI, NI), 1)
    eye = (iB == jB)
    c_col = jnp.sum(jnp.where(eye, cB, 0.0), axis=1, keepdims=True)
    cmp = (cB < c_col) | ((cB == c_col) & (jB < iB))
    rank_col = jnp.sum(cmp.astype(jnp.float32), axis=1, keepdims=True)
    onehot = rank_col == jB.astype(jnp.float32)
    sorted_row = jnp.sum(
        jnp.where(onehot, jnp.broadcast_to(c_col, (NI, NI)), 0.0),
        axis=0, keepdims=True)

    shift = (iB == jB + 1).astype(jnp.float32)
    hi = lax.dot(sorted_row, shift, precision=_HI)
    hi = jnp.where(lane == NI - 1, jnp.float32(T), hi)

    lo_i = sorted_row.astype(jnp.int32)
    hi_i = hi.astype(jnp.int32)
    block = jnp.clip(lax.shift_right_logical(lo_i, BM_SHIFT), 0, NB - 1)
    expert = jnp.zeros((1, NI), jnp.int32)
    for k in range(E - 1):
        expert = expert + (ends[k] <= sorted_row).astype(jnp.int32)
    expert = jnp.clip(expert, 0, E - 1)
    base = block * BM

    meta_ref[0:1, :] = block
    meta_ref[1:2, :] = expert
    meta_ref[2:3, :] = lo_i - base
    meta_ref[3:4, :] = hi_i - base


def _meta_call(a2d):
    return pl.pallas_call(
        _meta_body,
        out_shape=[
            jax.ShapeDtypeStruct((AR, AC), jnp.int32),
            jax.ShapeDtypeStruct((4, NI), jnp.int32),
        ],
    )(a2d)


def _mm_body(meta_ref, x_ref, w_ref, o_ref):
    i = pl.program_id(0)
    lo = meta_ref[2, i]
    hi = meta_ref[3, i]

    @pl.when(hi > lo)
    def _():
        y = lax.dot_general(
            x_ref[...], w_ref[0],
            (((1,), (1,)), ((), ())),
            preferred_element_type=jnp.float32)
        rows = lax.broadcasted_iota(jnp.int32, (BM, 1), 0)
        msk = (rows >= lo) & (rows < hi)
        o_ref[...] = jnp.where(msk, y, o_ref[...])


def _mm_call(meta, x_sorted, weight):
    grid_spec = pltpu.PrefetchScalarGridSpec(
        num_scalar_prefetch=1,
        grid=(NI,),
        in_specs=[
            pl.BlockSpec((BM, F), lambda i, meta: (meta[0, i], 0)),
            pl.BlockSpec((1, O, F), lambda i, meta: (meta[1, i], 0, 0)),
        ],
        out_specs=pl.BlockSpec((BM, O), lambda i, meta: (meta[0, i], 0)),
    )
    return pl.pallas_call(
        _mm_body,
        grid_spec=grid_spec,
        out_shape=jax.ShapeDtypeStruct((T, O), jnp.float32),
    )(meta, x_sorted, weight)


_NC = 2
_NS = 16
_NWK = _NC * _NS
_RPW = T // _NWK
_CHUNK = 32
_NCH = _RPW // _CHUNK


@functools.lru_cache(maxsize=1)
def _sc_kernels():
    mesh = plsc.VectorSubcoreMesh(
        core_axis_name="c", subcore_axis_name="s",
        num_cores=_NC, num_subcores=_NS)
    scratch = [
        pltpu.VMEM((_NCH, _CHUNK), jnp.int32),
        pltpu.VMEM((_CHUNK, F), jnp.float32),
        pltpu.VMEM((_CHUNK, F), jnp.float32),
        pltpu.SemaphoreType.DMA,
        pltpu.SemaphoreType.DMA,
        pltpu.SemaphoreType.DMA,
        pltpu.SemaphoreType.DMA,
    ]

    def make(out_shape, indirect_in):
        @functools.partial(
            pl.kernel,
            out_type=jax.ShapeDtypeStruct(out_shape, jnp.float32),
            mesh=mesh,
            scratch_types=scratch,
        )
        def k(src_hbm, pos_hbm, out_hbm, idx_v, rows0, rows1,
              si0, si1, so0, so1):
            wid = lax.axis_index("s") * _NC + lax.axis_index("c")
            pltpu.sync_copy(pos_hbm.at[pl.ds(wid * _NCH, _NCH)], idx_v)
            bufs = (rows0, rows1)
            sin = (si0, si1)
            sout = (so0, so1)

            def lin(j):
                return pl.ds(wid * _RPW + j * _CHUNK, _CHUNK)

            def start_in(j):
                b = j % 2
                src = (src_hbm.at[idx_v.at[j]] if indirect_in
                       else src_hbm.at[lin(j)])
                return pltpu.async_copy(src, bufs[b], sin[b])

            def start_out(j):
                b = j % 2
                dst = (out_hbm.at[lin(j)] if indirect_in
                       else out_hbm.at[idx_v.at[j]])
                return pltpu.async_copy(bufs[b], dst, sout[b])

            cin = {0: start_in(0), 1: start_in(1)}
            cout = {}
            for j in range(_NCH):
                cin[j].wait()
                cout[j] = start_out(j)
                if j + 2 < _NCH:
                    cout[j].wait()
                    cin[j + 2] = start_in(j + 2)
            cout[_NCH - 2].wait()
            cout[_NCH - 1].wait()

        return k

    return make((T, F), False), make((T, O), True)


def kernel(input_tokens, expert_assignments, weight):
    scatter, gather = _sc_kernels()
    pos, meta = _meta_call(
        expert_assignments.astype(jnp.int32).reshape(AR, AC))
    x_sorted = scatter(input_tokens, pos)
    y_sorted = _mm_call(meta, x_sorted, weight)
    return gather(y_sorted, pos)

# --- scband reference (transcript-rebuilt; emitter-appended) ---
"""Pipeline reference for scband-py-torch-manual-grouped-linear-65395172049358 (READ-ONLY COPY).

The authoritative reference and input builder live on the scoring server;
editing this copy changes nothing except your own understanding.
"""

import jax, jax.numpy as jnp
import numpy as np

NUM_EXPERTS = 8
IN_FEATURES = 1024
OUT_FEATURES = 1024
TOTAL_TOKENS = 4096


def setup_inputs(seed: int = 0) -> dict:
    key = jax.random.key(seed)
    k1, k2, k3 = jax.random.split(key, 3)
    input_tokens = jax.random.normal(k1, (TOTAL_TOKENS, IN_FEATURES), dtype=jnp.float32)
    expert_assignments = jax.random.randint(k2, (TOTAL_TOKENS,), 0, NUM_EXPERTS, dtype=jnp.int64)
    # kaiming_uniform_ with a=sqrt(2): gain = sqrt(2/(1+a^2)) = sqrt(2/3); bound = gain*sqrt(3/fan_in)
    fan_in = IN_FEATURES
    bound = np.sqrt(2.0 / 3.0) * np.sqrt(3.0 / fan_in)
    weight = jax.random.uniform(k3, (NUM_EXPERTS, OUT_FEATURES, IN_FEATURES), dtype=jnp.float32, minval=-bound, maxval=bound)
    return {"input_tokens": input_tokens, "expert_assignments": expert_assignments, "weight": weight}


def reference(input_tokens, expert_assignments, weight):
    # out[i] = input_tokens[i] @ weight[expert_assignments[i]].T
    # Faithful grouped-linear: each token is processed by its assigned expert's weight.
    # Static-shape formulation: compute each expert's matmul over all tokens and mask-select,
    # which is mathematically identical to the sort+segment grouped GEMM in the torch module.
    num_experts = weight.shape[0]
    out = jnp.zeros((input_tokens.shape[0], weight.shape[1]), dtype=input_tokens.dtype)
    for e in range(num_experts):
        mask = (expert_assignments == e)
        ye = input_tokens @ weight[e].T
        out = out + jnp.where(mask[:, None], ye, jnp.zeros_like(ye))
    return out

if __name__ == "__main__":
    import jax
    _d = setup_inputs()
    print(jax.jit(kernel)(*tuple(_d.values())))

</pallas_src>

<mosaic_0001>
#map = affine_map<(d0, d1) -> (0, 0)>
module attributes {stable_mosaic.version = 14 : i64} {
  func.func @k(%arg0: i32, %arg1: i32, %arg2: memref<4096x1024xf32, #tpu.memory_space<hbm>>, %arg3: memref<128x32xi32, #tpu.memory_space<hbm>>, %arg4: memref<4096x1024xf32, #tpu.memory_space<hbm>>, %arg5: memref<4x32xi32, #tpu.memory_space<vmem>>, %arg6: memref<32x1024xf32, #tpu.memory_space<vmem>>, %arg7: memref<32x1024xf32, #tpu.memory_space<vmem>>, %arg8: memref<!tpu.dma_semaphore, #tpu.memory_space<semaphore_mem>>, %arg9: memref<!tpu.dma_semaphore, #tpu.memory_space<semaphore_mem>>, %arg10: memref<!tpu.dma_semaphore, #tpu.memory_space<semaphore_mem>>, %arg11: memref<!tpu.dma_semaphore, #tpu.memory_space<semaphore_mem>>) attributes {dimension_semantics = [#tpu.dimension_semantics<core_parallel>, #tpu.dimension_semantics<subcore_parallel>], iteration_bounds = array<i64: 2, 16>, scalar_prefetch = 0 : i64, scratch_operands = 7 : i64, tpu.core_type = #tpu.core_type<sc_vector_subcore>, window_params = [{transform_indices = #map}, {transform_indices = #map}, {transform_indices = #map}]} {
    %mul3A = arith.constant 2 : i32
    %mul3A_0 = arith.muli %arg1, %mul3A : i32
    %add3A = arith.addi %mul3A_0, %arg0 : i32
    %mul3A_1 = arith.constant 4 : i32
    %mul3A_2 = arith.muli %add3A, %mul3A_1 : i32
    "tpu.region"() ({
      %run_scoped3A = tpu.sem_alloc : memref<!tpu.dma_semaphore, #tpu.memory_space<semaphore_mem>>
      %dma_start3A_105 = arith.constant 0 : i32
      %dma_start3A_106 = tpu.memref_slice %arg3[%mul3A_2, %dma_start3A_105] : memref<128x32xi32, #tpu.memory_space<hbm>> -> memref<4x32xi32, #tpu.memory_space<hbm>>
      %dma_start3A_107 = arith.constant 0 : i32
      %dma_start3A_108 = tpu.memref_slice %arg3[%mul3A_2, %dma_start3A_107] : memref<128x32xi32, #tpu.memory_space<hbm>> -> memref<4x32xi32, #tpu.memory_space<hbm>>
      tpu.enqueue_dma source(%dma_start3A_108 : memref<4x32xi32, #tpu.memory_space<hbm>>) target(%arg5 : memref<4x32xi32, #tpu.memory_space<vmem>>) target_semaphore(%run_scoped3A : memref<!tpu.dma_semaphore, #tpu.memory_space<semaphore_mem>>)
      %dma_wait3A_109 = arith.constant 0 : i32
      %dma_wait3A_110 = tpu.memref_slice %arg3[%mul3A_2, %dma_wait3A_109] : memref<128x32xi32, #tpu.memory_space<hbm>> -> memref<4x32xi32, #tpu.memory_space<hbm>>
      %dma_wait3A_111 = arith.constant 0 : i32
      %dma_wait3A_112 = tpu.memref_slice %arg3[%mul3A_2, %dma_wait3A_111] : memref<128x32xi32, #tpu.memory_space<hbm>> -> memref<4x32xi32, #tpu.memory_space<hbm>>
      tpu.wait_dma2 semaphore(%run_scoped3A : memref<!tpu.dma_semaphore, #tpu.memory_space<semaphore_mem>>) src(%dma_wait3A_112 : memref<4x32xi32, #tpu.memory_space<hbm>>) dst(%arg5 : memref<4x32xi32, #tpu.memory_space<vmem>>)
      tpu.yield
    }) : () -> ()
    %dma_start3A = arith.constant 0 : i32
    %dma_start3A_3 = arith.constant 0 : i32
    %dma_start3A_4 = tpu.memref_slice %arg5[%dma_start3A, %dma_start3A_3] : memref<4x32xi32, #tpu.memory_space<vmem>> -> memref<1x32xi32, #tpu.memory_space<vmem>>
    %dma_start3A_5 = tpu.memref_squeeze %dma_start3A_4 : memref<1x32xi32, #tpu.memory_space<vmem>> -> memref<32xi32, #tpu.memory_space<vmem>>
    %dma_start3A_6 = arith.constant 0 : i32
    %dma_start3A_7 = arith.constant 0 : i32
    %dma_start3A_8 = tpu.memref_slice %arg2[%dma_start3A_6, %dma_start3A_7] : memref<4096x1024xf32, #tpu.memory_space<hbm>> -> memref<4096x1024xf32, #tpu.memory_space<hbm>>
    tpu.enqueue_indirect_dma source(%dma_start3A_8 : memref<4096x1024xf32, #tpu.memory_space<hbm>>) target(%arg6 : memref<32x1024xf32, #tpu.memory_space<vmem>>) offsets(%dma_start3A_5 : memref<32xi32, #tpu.memory_space<vmem>>) semaphore(%arg8 : memref<!tpu.dma_semaphore, #tpu.memory_space<semaphore_mem>>)
    %dma_start3A_9 = arith.constant 1 : i32
    %dma_start3A_10 = arith.constant 0 : i32
    %dma_start3A_11 = tpu.memref_slice %arg5[%dma_start3A_9, %dma_start3A_10] : memref<4x32xi32, #tpu.memory_space<vmem>> -> memref<1x32xi32, #tpu.memory_space<vmem>>
    %dma_start3A_12 = tpu.memref_squeeze %dma_start3A_11 : memref<1x32xi32, #tpu.memory_space<vmem>> -> memref<32xi32, #tpu.memory_space<vmem>>
    %dma_start3A_13 = arith.constant 0 : i32
    %dma_start3A_14 = arith.constant 0 : i32
    %dma_start3A_15 = tpu.memref_slice %arg2[%dma_start3A_13, %dma_start3A_14] : memref<4096x1024xf32, #tpu.memory_space<hbm>> -> memref<4096x1024xf32, #tpu.memory_space<hbm>>
    tpu.enqueue_indirect_dma source(%dma_start3A_15 : memref<4096x1024xf32, #tpu.memory_space<hbm>>) target(%arg7 : memref<32x1024xf32, #tpu.memory_space<vmem>>) offsets(%dma_start3A_12 : memref<32xi32, #tpu.memory_space<vmem>>) semaphore(%arg9 : memref<!tpu.dma_semaphore, #tpu.memory_space<semaphore_mem>>)
    %dma_wait3A = arith.constant 0 : i32
    %dma_wait3A_16 = arith.constant 0 : i32
    %dma_wait3A_17 = tpu.memref_slice %arg5[%dma_wait3A, %dma_wait3A_16] : memref<4x32xi32, #tpu.memory_space<vmem>> -> memref<1x32xi32, #tpu.memory_space<vmem>>
    %dma_wait3A_18 = tpu.memref_squeeze %dma_wait3A_17 : memref<1x32xi32, #tpu.memory_space<vmem>> -> memref<32xi32, #tpu.memory_space<vmem>>
    %dma_wait3A_19 = arith.constant 0 : i32
    %dma_wait3A_20 = arith.constant 0 : i32
    %dma_wait3A_21 = tpu.memref_slice %arg2[%dma_wait3A_19, %dma_wait3A_20] : memref<4096x1024xf32, #tpu.memory_space<hbm>> -> memref<4096x1024xf32, #tpu.memory_space<hbm>>
    tpu.wait_indirect_dma semaphore(%arg8 : memref<!tpu.dma_semaphore, #tpu.memory_space<semaphore_mem>>) src(%dma_wait3A_21 : memref<4096x1024xf32, #tpu.memory_space<hbm>>) dst(%arg6 : memref<32x1024xf32, #tpu.memory_space<vmem>>)
    %mul3A_22 = arith.constant 128 : i32
    %mul3A_23 = arith.muli %add3A, %mul3A_22 : i32
    %add3A_24 = arith.constant 0 : i32
    %add3A_25 = arith.addi %mul3A_23, %add3A_24 : i32
    %dma_start3A_26 = arith.constant 0 : i32
    %dma_start3A_27 = tpu.memref_slice %arg4[%add3A_25, %dma_start3A_26] : memref<4096x1024xf32, #tpu.memory_space<hbm>> -> memref<32x1024xf32, #tpu.memory_space<hbm>>
    %dma_start3A_28 = arith.constant 0 : i32
    %dma_start3A_29 = tpu.memref_slice %arg4[%add3A_25, %dma_start3A_28] : memref<4096x1024xf32, #tpu.memory_space<hbm>> -> memref<32x1024xf32, #tpu.memory_space<hbm>>
    tpu.enqueue_dma source(%arg6 : memref<32x1024xf32, #tpu.memory_space<vmem>>) target(%dma_start3A_29 : memref<32x1024xf32, #tpu.memory_space<hbm>>) target_semaphore(%arg10 : memref<!tpu.dma_semaphore, #tpu.memory_space<semaphore_mem>>)
    %dma_wait3A_30 = arith.constant 0 : i32
    %dma_wait3A_31 = tpu.memref_slice %arg4[%add3A_25, %dma_wait3A_30] : memref<4096x1024xf32, #tpu.memory_space<hbm>> -> memref<32x1024xf32, #tpu.memory_space<hbm>>
    %dma_wait3A_32 = arith.constant 0 : i32
    %dma_wait3A_33 = tpu.memref_slice %arg4[%add3A_25, %dma_wait3A_32] : memref<4096x1024xf32, #tpu.memory_space<hbm>> -> memref<32x1024xf32, #tpu.memory_space<hbm>>
    tpu.wait_dma2 semaphore(%arg10 : memref<!tpu.dma_semaphore, #tpu.memory_space<semaphore_mem>>) src(%arg6 : memref<32x1024xf32, #tpu.memory_space<vmem>>) dst(%dma_wait3A_33 : memref<32x1024xf32, #tpu.memory_space<hbm>>)
    %dma_start3A_34 = arith.constant 2 : i32
    %dma_start3A_35 = arith.constant 0 : i32
    %dma_start3A_36 = tpu.memref_slice %arg5[%dma_start3A_34, %dma_start3A_35] : memref<4x32xi32, #tpu.memory_space<vmem>> -> memref<1x32xi32, #tpu.memory_space<vmem>>
    %dma_start3A_37 = tpu.memref_squeeze %dma_start3A_36 : memref<1x32xi32, #tpu.memory_space<vmem>> -> memref<32xi32, #tpu.memory_space<vmem>>
    %dma_start3A_38 = arith.constant 0 : i32
    %dma_start3A_39 = arith.constant 0 : i32
    %dma_start3A_40 = tpu.memref_slice %arg2[%dma_start3A_38, %dma_start3A_39] : memref<4096x1024xf32, #tpu.memory_space<hbm>> -> memref<4096x1024xf32, #tpu.memory_space<hbm>>
    tpu.enqueue_indirect_dma source(%dma_start3A_40 : memref<4096x1024xf32, #tpu.memory_space<hbm>>) target(%arg6 : memref<32x1024xf32, #tpu.memory_space<vmem>>) offsets(%dma_start3A_37 : memref<32xi32, #tpu.memory_space<vmem>>) semaphore(%arg8 : memref<!tpu.dma_semaphore, #tpu.memory_space<semaphore_mem>>)
    %dma_wait3A_41 = arith.constant 1 : i32
    %dma_wait3A_42 = arith.constant 0 : i32
    %dma_wait3A_43 = tpu.memref_slice %arg5[%dma_wait3A_41, %dma_wait3A_42] : memref<4x32xi32, #tpu.memory_space<vmem>> -> memref<1x32xi32, #tpu.memory_space<vmem>>
    %dma_wait3A_44 = tpu.memref_squeeze %dma_wait3A_43 : memref<1x32xi32, #tpu.memory_space<vmem>> -> memref<32xi32, #tpu.memory_space<vmem>>
    %dma_wait3A_45 = arith.constant 0 : i32
    %dma_wait3A_46 = arith.constant 0 : i32
    %dma_wait3A_47 = tpu.memref_slice %arg2[%dma_wait3A_45, %dma_wait3A_46] : memref<4096x1024xf32, #tpu.memory_space<hbm>> -> memref<4096x1024xf32, #tpu.memory_space<hbm>>
    tpu.wait_indirect_dma semaphore(%arg9 : memref<!tpu.dma_semaphore, #tpu.memory_space<semaphore_mem>>) src(%dma_wait3A_47 : memref<4096x1024xf32, #tpu.memory_space<hbm>>) dst(%arg7 : memref<32x1024xf32, #tpu.memory_space<vmem>>)
    %mul3A_48 = arith.constant 128 : i32
    %mul3A_49 = arith.muli %add3A, %mul3A_48 : i32
    %add3A_50 = arith.constant 32 : i32
    %add3A_51 = arith.addi %mul3A_49, %add3A_50 : i32
    %dma_start3A_52 = arith.constant 0 : i32
    %dma_start3A_53 = tpu.memref_slice %arg4[%add3A_51, %dma_start3A_52] : memref<4096x1024xf32, #tpu.memory_space<hbm>> -> memref<32x1024xf32, #tpu.memory_space<hbm>>
    %dma_start3A_54 = arith.constant 0 : i32
    %dma_start3A_55 = tpu.memref_slice %arg4[%add3A_51, %dma_start3A_54] : memref<4096x1024xf32, #tpu.memory_space<hbm>> -> memref<32x1024xf32, #tpu.memory_space<hbm>>
    tpu.enqueue_dma source(%arg7 : memref<32x1024xf32, #tpu.memory_space<vmem>>) target(%dma_start3A_55 : memref<32x1024xf32, #tpu.memory_space<hbm>>) target_semaphore(%arg11 : memref<!tpu.dma_semaphore, #tpu.memory_space<semaphore_mem>>)
    %dma_wait3A_56 = arith.constant 0 : i32
    %dma_wait3A_57 = tpu.memref_slice %arg4[%add3A_51, %dma_wait3A_56] : memref<4096x1024xf32, #tpu.memory_space<hbm>> -> memref<32x1024xf32, #tpu.memory_space<hbm>>
    %dma_wait3A_58 = arith.constant 0 : i32
    %dma_wait3A_59 = tpu.memref_slice %arg4[%add3A_51, %dma_wait3A_58] : memref<4096x1024xf32, #tpu.memory_space<hbm>> -> memref<32x1024xf32, #tpu.memory_space<hbm>>
    tpu.wait_dma2 semaphore(%arg11 : memref<!tpu.dma_semaphore, #tpu.memory_space<semaphore_mem>>) src(%arg7 : memref<32x1024xf32, #tpu.memory_space<vmem>>) dst(%dma_wait3A_59 : memref<32x1024xf32, #tpu.memory_space<hbm>>)
    %dma_start3A_60 = arith.constant 3 : i32
    %dma_start3A_61 = arith.constant 0 : i32
    %dma_start3A_62 = tpu.memref_slice %arg5[%dma_start3A_60, %dma_start3A_61] : memref<4x32xi32, #tpu.memory_space<vmem>> -> memref<1x32xi32, #tpu.memory_space<vmem>>
    %dma_start3A_63 = tpu.memref_squeeze %dma_start3A_62 : memref<1x32xi32, #tpu.memory_space<vmem>> -> memref<32xi32, #tpu.memory_space<vmem>>
    %dma_start3A_64 = arith.constant 0 : i32
    %dma_start3A_65 = arith.constant 0 : i32
    %dma_start3A_66 = tpu.memref_slice %arg2[%dma_start3A_64, %dma_start3A_65] : memref<4096x1024xf32, #tpu.memory_space<hbm>> -> memref<4096x1024xf32, #tpu.memory_space<hbm>>
    tpu.enqueue_indirect_dma source(%dma_start3A_66 : memref<4096x1024xf32, #tpu.memory_space<hbm>>) target(%arg7 : memref<32x1024xf32, #tpu.memory_space<vmem>>) offsets(%dma_start3A_63 : memref<32xi32, #tpu.memory_space<vmem>>) semaphore(%arg9 : memref<!tpu.dma_semaphore, #tpu.memory_space<semaphore_mem>>)
    %dma_wait3A_67 = arith.constant 2 : i32
    %dma_wait3A_68 = arith.constant 0 : i32
    %dma_wait3A_69 = tpu.memref_slice %arg5[%dma_wait3A_67, %dma_wait3A_68] : memref<4x32xi32, #tpu.memory_space<vmem>> -> memref<1x32xi32, #tpu.memory_space<vmem>>
    %dma_wait3A_70 = tpu.memref_squeeze %dma_wait3A_69 : memref<1x32xi32, #tpu.memory_space<vmem>> -> memref<32xi32, #tpu.memory_space<vmem>>
    %dma_wait3A_71 = arith.constant 0 : i32
    %dma_wait3A_72 = arith.constant 0 : i32
    %dma_wait3A_73 = tpu.memref_slice %arg2[%dma_wait3A_71, %dma_wait3A_72] : memref<4096x1024xf32, #tpu.memory_space<hbm>> -> memref<4096x1024xf32, #tpu.memory_space<hbm>>
    tpu.wait_indirect_dma semaphore(%arg8 : memref<!tpu.dma_semaphore, #tpu.memory_space<semaphore_mem>>) src(%dma_wait3A_73 : memref<4096x1024xf32, #tpu.memory_space<hbm>>) dst(%arg6 : memref<32x1024xf32, #tpu.memory_space<vmem>>)
    %mul3A_74 = arith.constant 128 : i32
    %mul3A_75 = arith.muli %add3A, %mul3A_74 : i32
    %add3A_76 = arith.constant 64 : i32
    %add3A_77 = arith.addi %mul3A_75, %add3A_76 : i32
    %dma_start3A_78 = arith.constant 0 : i32
    %dma_start3A_79 = tpu.memref_slice %arg4[%add3A_77, %dma_start3A_78] : memref<4096x1024xf32, #tpu.memory_space<hbm>> -> memref<32x1024xf32, #tpu.memory_space<hbm>>
    %dma_start3A_80 = arith.constant 0 : i32
    %dma_start3A_81 = tpu.memref_slice %arg4[%add3A_77, %dma_start3A_80] : memref<4096x1024xf32, #tpu.memory_space<hbm>> -> memref<32x1024xf32, #tpu.memory_space<hbm>>
    tpu.enqueue_dma source(%arg6 : memref<32x1024xf32, #tpu.memory_space<vmem>>) target(%dma_start3A_81 : memref<32x1024xf32, #tpu.memory_space<hbm>>) target_semaphore(%arg10 : memref<!tpu.dma_semaphore, #tpu.memory_space<semaphore_mem>>)
    %dma_wait3A_82 = arith.constant 3 : i32
    %dma_wait3A_83 = arith.constant 0 : i32
    %dma_wait3A_84 = tpu.memref_slice %arg5[%dma_wait3A_82, %dma_wait3A_83] : memref<4x32xi32, #tpu.memory_space<vmem>> -> memref<1x32xi32, #tpu.memory_space<vmem>>
    %dma_wait3A_85 = tpu.memref_squeeze %dma_wait3A_84 : memref<1x32xi32, #tpu.memory_space<vmem>> -> memref<32xi32, #tpu.memory_space<vmem>>
    %dma_wait3A_86 = arith.constant 0 : i32
    %dma_wait3A_87 = arith.constant 0 : i32
    %dma_wait3A_88 = tpu.memref_slice %arg2[%dma_wait3A_86, %dma_wait3A_87] : memref<4096x1024xf32, #tpu.memory_space<hbm>> -> memref<4096x1024xf32, #tpu.memory_space<hbm>>
    tpu.wait_indirect_dma semaphore(%arg9 : memref<!tpu.dma_semaphore, #tpu.memory_space<semaphore_mem>>) src(%dma_wait3A_88 : memref<4096x1024xf32, #tpu.memory_space<hbm>>) dst(%arg7 : memref<32x1024xf32, #tpu.memory_space<vmem>>)
    %mul3A_89 = arith.constant 128 : i32
    %mul3A_90 = arith.muli %add3A, %mul3A_89 : i32
    %add3A_91 = arith.constant 96 : i32
    %add3A_92 = arith.addi %mul3A_90, %add3A_91 : i32
    %dma_start3A_93 = arith.constant 0 : i32
    %dma_start3A_94 = tpu.memref_slice %arg4[%add3A_92, %dma_start3A_93] : memref<4096x1024xf32, #tpu.memory_space<hbm>> -> memref<32x1024xf32, #tpu.memory_space<hbm>>
    %dma_start3A_95 = arith.constant 0 : i32
    %dma_start3A_96 = tpu.memref_slice %arg4[%add3A_92, %dma_start3A_95] : memref<4096x1024xf32, #tpu.memory_space<hbm>> -> memref<32x1024xf32, #tpu.memory_space<hbm>>
    tpu.enqueue_dma source(%arg7 : memref<32x1024xf32, #tpu.memory_space<vmem>>) target(%dma_start3A_96 : memref<32x1024xf32, #tpu.memory_space<hbm>>) target_semaphore(%arg11 : memref<!tpu.dma_semaphore, #tpu.memory_space<semaphore_mem>>)
    %dma_wait3A_97 = arith.constant 0 : i32
    %dma_wait3A_98 = tpu.memref_slice %arg4[%add3A_77, %dma_wait3A_97] : memref<4096x1024xf32, #tpu.memory_space<hbm>> -> memref<32x1024xf32, #tpu.memory_space<hbm>>
    %dma_wait3A_99 = arith.constant 0 : i32
    %dma_wait3A_100 = tpu.memref_slice %arg4[%add3A_77, %dma_wait3A_99] : memref<4096x1024xf32, #tpu.memory_space<hbm>> -> memref<32x1024xf32, #tpu.memory_space<hbm>>
    tpu.wait_dma2 semaphore(%arg10 : memref<!tpu.dma_semaphore, #tpu.memory_space<semaphore_mem>>) src(%arg6 : memref<32x1024xf32, #tpu.memory_space<vmem>>) dst(%dma_wait3A_100 : memref<32x1024xf32, #tpu.memory_space<hbm>>)
    %dma_wait3A_101 = arith.constant 0 : i32
    %dma_wait3A_102 = tpu.memref_slice %arg4[%add3A_92, %dma_wait3A_101] : memref<4096x1024xf32, #tpu.memory_space<hbm>> -> memref<32x1024xf32, #tpu.memory_space<hbm>>
    %dma_wait3A_103 = arith.constant 0 : i32
    %dma_wait3A_104 = tpu.memref_slice %arg4[%add3A_92, %dma_wait3A_103] : memref<4096x1024xf32, #tpu.memory_space<hbm>> -> memref<32x1024xf32, #tpu.memory_space<hbm>>
    tpu.wait_dma2 semaphore(%arg11 : memref<!tpu.dma_semaphore, #tpu.memory_space<semaphore_mem>>) src(%arg7 : memref<32x1024xf32, #tpu.memory_space<vmem>>) dst(%dma_wait3A_104 : memref<32x1024xf32, #tpu.memory_space<hbm>>)
    return
  }
}

#map = affine_map<(d0, d1) -> (0, 0)>
module attributes {stable_mosaic.version = 14 : i64} {
  func.func @k(%arg0: i32, %arg1: i32, %arg2: memref<4096x1024xf32, #tpu.memory_space<hbm>>, %arg3: memref<128x32xi32, #tpu.memory_space<hbm>>, %arg4: memref<4096x1024xf32, #tpu.memory_space<hbm>>, %arg5: memref<4x32xi32, #tpu.memory_space<vmem>>, %arg6: memref<32x1024xf32, #tpu.memory_space<vmem>>, %arg7: memref<32x1024xf32, #tpu.memory_space<vmem>>, %arg8: memref<!tpu.dma_semaphore, #tpu.memory_space<semaphore_mem>>, %arg9: memref<!tpu.dma_semaphore, #tpu.memory_space<semaphore_mem>>, %arg10: memref<!tpu.dma_semaphore, #tpu.memory_space<semaphore_mem>>, %arg11: memref<!tpu.dma_semaphore, #tpu.memory_space<semaphore_mem>>) attributes {dimension_semantics = [#tpu.dimension_semantics<core_parallel>, #tpu.dimension_semantics<subcore_parallel>], iteration_bounds = array<i64: 2, 16>, scalar_prefetch = 0 : i64, scratch_operands = 7 : i64, tpu.core_type = #tpu.core_type<sc_vector_subcore>, window_params = [{transform_indices = #map}, {transform_indices = #map}, {transform_indices = #map}]} {
    %mul3A = arith.constant 2 : i32
    %mul3A_0 = arith.muli %arg1, %mul3A : i32
    %add3A = arith.addi %mul3A_0, %arg0 : i32
    %mul3A_1 = arith.constant 4 : i32
    %mul3A_2 = arith.muli %add3A, %mul3A_1 : i32
    "tpu.region"() ({
      %run_scoped3A = tpu.sem_alloc : memref<!tpu.dma_semaphore, #tpu.memory_space<semaphore_mem>>
      %dma_start3A_105 = arith.constant 0 : i32
      %dma_start3A_106 = tpu.memref_slice %arg3[%mul3A_2, %dma_start3A_105] : memref<128x32xi32, #tpu.memory_space<hbm>> -> memref<4x32xi32, #tpu.memory_space<hbm>>
      %dma_start3A_107 = arith.constant 0 : i32
      %dma_start3A_108 = tpu.memref_slice %arg3[%mul3A_2, %dma_start3A_107] : memref<128x32xi32, #tpu.memory_space<hbm>> -> memref<4x32xi32, #tpu.memory_space<hbm>>
      tpu.enqueue_dma source(%dma_start3A_108 : memref<4x32xi32, #tpu.memory_space<hbm>>) target(%arg5 : memref<4x32xi32, #tpu.memory_space<vmem>>) target_semaphore(%run_scoped3A : memref<!tpu.dma_semaphore, #tpu.memory_space<semaphore_mem>>)
      %dma_wait3A_109 = arith.constant 0 : i32
      %dma_wait3A_110 = tpu.memref_slice %arg3[%mul3A_2, %dma_wait3A_109] : memref<128x32xi32, #tpu.memory_space<hbm>> -> memref<4x32xi32, #tpu.memory_space<hbm>>
      %dma_wait3A_111 = arith.constant 0 : i32
      %dma_wait3A_112 = tpu.memref_slice %arg3[%mul3A_2, %dma_wait3A_111] : memref<128x32xi32, #tpu.memory_space<hbm>> -> memref<4x32xi32, #tpu.memory_space<hbm>>
      tpu.wait_dma2 semaphore(%run_scoped3A : memref<!tpu.dma_semaphore, #tpu.memory_space<semaphore_mem>>) src(%dma_wait3A_112 : memref<4x32xi32, #tpu.memory_space<hbm>>) dst(%arg5 : memref<4x32xi32, #tpu.memory_space<vmem>>)
      tpu.yield
    }) : () -> ()
    %mul3A_3 = arith.constant 128 : i32
    %mul3A_4 = arith.muli %add3A, %mul3A_3 : i32
    %add3A_5 = arith.constant 0 : i32
    %add3A_6 = arith.addi %mul3A_4, %add3A_5 : i32
    %dma_start3A = arith.constant 0 : i32
    %dma_start3A_7 = tpu.memref_slice %arg2[%add3A_6, %dma_start3A] : memref<4096x1024xf32, #tpu.memory_space<hbm>> -> memref<32x1024xf32, #tpu.memory_space<hbm>>
    %dma_start3A_8 = arith.constant 0 : i32
    %dma_start3A_9 = tpu.memref_slice %arg2[%add3A_6, %dma_start3A_8] : memref<4096x1024xf32, #tpu.memory_space<hbm>> -> memref<32x1024xf32, #tpu.memory_space<hbm>>
    tpu.enqueue_dma source(%dma_start3A_9 : memref<32x1024xf32, #tpu.memory_space<hbm>>) target(%arg6 : memref<32x1024xf32, #tpu.memory_space<vmem>>) target_semaphore(%arg8 : memref<!tpu.dma_semaphore, #tpu.memory_space<semaphore_mem>>)
    %mul3A_10 = arith.constant 128 : i32
    %mul3A_11 = arith.muli %add3A, %mul3A_10 : i32
    %add3A_12 = arith.constant 32 : i32
    %add3A_13 = arith.addi %mul3A_11, %add3A_12 : i32
    %dma_start3A_14 = arith.constant 0 : i32
    %dma_start3A_15 = tpu.memref_slice %arg2[%add3A_13, %dma_start3A_14] : memref<4096x1024xf32, #tpu.memory_space<hbm>> -> memref<32x1024xf32, #tpu.memory_space<hbm>>
    %dma_start3A_16 = arith.constant 0 : i32
    %dma_start3A_17 = tpu.memref_slice %arg2[%add3A_13, %dma_start3A_16] : memref<4096x1024xf32, #tpu.memory_space<hbm>> -> memref<32x1024xf32, #tpu.memory_space<hbm>>
    tpu.enqueue_dma source(%dma_start3A_17 : memref<32x1024xf32, #tpu.memory_space<hbm>>) target(%arg7 : memref<32x1024xf32, #tpu.memory_space<vmem>>) target_semaphore(%arg9 : memref<!tpu.dma_semaphore, #tpu.memory_space<semaphore_mem>>)
    %dma_wait3A = arith.constant 0 : i32
    %dma_wait3A_18 = tpu.memref_slice %arg2[%add3A_6, %dma_wait3A] : memref<4096x1024xf32, #tpu.memory_space<hbm>> -> memref<32x1024xf32, #tpu.memory_space<hbm>>
    %dma_wait3A_19 = arith.constant 0 : i32
    %dma_wait3A_20 = tpu.memref_slice %arg2[%add3A_6, %dma_wait3A_19] : memref<4096x1024xf32, #tpu.memory_space<hbm>> -> memref<32x1024xf32, #tpu.memory_space<hbm>>
    tpu.wait_dma2 semaphore(%arg8 : memref<!tpu.dma_semaphore, #tpu.memory_space<semaphore_mem>>) src(%dma_wait3A_20 : memref<32x1024xf32, #tpu.memory_space<hbm>>) dst(%arg6 : memref<32x1024xf32, #tpu.memory_space<vmem>>)
    %dma_start3A_21 = arith.constant 0 : i32
    %dma_start3A_22 = arith.constant 0 : i32
    %dma_start3A_23 = tpu.memref_slice %arg5[%dma_start3A_21, %dma_start3A_22] : memref<4x32xi32, #tpu.memory_space<vmem>> -> memref<1x32xi32, #tpu.memory_space<vmem>>
    %dma_start3A_24 = tpu.memref_squeeze %dma_start3A_23 : memref<1x32xi32, #tpu.memory_space<vmem>> -> memref<32xi32, #tpu.memory_space<vmem>>
    %dma_start3A_25 = arith.constant 0 : i32
    %dma_start3A_26 = arith.constant 0 : i32
    %dma_start3A_27 = tpu.memref_slice %arg4[%dma_start3A_25, %dma_start3A_26] : memref<4096x1024xf32, #tpu.memory_space<hbm>> -> memref<4096x1024xf32, #tpu.memory_space<hbm>>
    tpu.enqueue_indirect_dma source(%arg6 : memref<32x1024xf32, #tpu.memory_space<vmem>>) target(%dma_start3A_27 : memref<4096x1024xf32, #tpu.memory_space<hbm>>) offsets(%dma_start3A_24 : memref<32xi32, #tpu.memory_space<vmem>>) semaphore(%arg10 : memref<!tpu.dma_semaphore, #tpu.memory_space<semaphore_mem>>)
    %dma_wait3A_28 = arith.constant 0 : i32
    %dma_wait3A_29 = arith.constant 0 : i32
    %dma_wait3A_30 = tpu.memref_slice %arg5[%dma_wait3A_28, %dma_wait3A_29] : memref<4x32xi32, #tpu.memory_space<vmem>> -> memref<1x32xi32, #tpu.memory_space<vmem>>
    %dma_wait3A_31 = tpu.memref_squeeze %dma_wait3A_30 : memref<1x32xi32, #tpu.memory_space<vmem>> -> memref<32xi32, #tpu.memory_space<vmem>>
    %dma_wait3A_32 = arith.constant 0 : i32
    %dma_wait3A_33 = arith.constant 0 : i32
    %dma_wait3A_34 = tpu.memref_slice %arg4[%dma_wait3A_32, %dma_wait3A_33] : memref<4096x1024xf32, #tpu.memory_space<hbm>> -> memref<4096x1024xf32, #tpu.memory_space<hbm>>
    tpu.wait_indirect_dma semaphore(%arg10 : memref<!tpu.dma_semaphore, #tpu.memory_space<semaphore_mem>>) src(%arg6 : memref<32x1024xf32, #tpu.memory_space<vmem>>) dst(%dma_wait3A_34 : memref<4096x1024xf32, #tpu.memory_space<hbm>>)
    %mul3A_35 = arith.constant 128 : i32
    %mul3A_36 = arith.muli %add3A, %mul3A_35 : i32
    %add3A_37 = arith.constant 64 : i32
    %add3A_38 = arith.addi %mul3A_36, %add3A_37 : i32
    %dma_start3A_39 = arith.constant 0 : i32
    %dma_start3A_40 = tpu.memref_slice %arg2[%add3A_38, %dma_start3A_39] : memref<4096x1024xf32, #tpu.memory_space<hbm>> -> memref<32x1024xf32, #tpu.memory_space<hbm>>
    %dma_start3A_41 = arith.constant 0 : i32
    %dma_start3A_42 = tpu.memref_slice %arg2[%add3A_38, %dma_start3A_41] : memref<4096x1024xf32, #tpu.memory_space<hbm>> -> memref<32x1024xf32, #tpu.memory_space<hbm>>
    tpu.enqueue_dma source(%dma_start3A_42 : memref<32x1024xf32, #tpu.memory_space<hbm>>) target(%arg6 : memref<32x1024xf32, #tpu.memory_space<vmem>>) target_semaphore(%arg8 : memref<!tpu.dma_semaphore, #tpu.memory_space<semaphore_mem>>)
    %dma_wait3A_43 = arith.constant 0 : i32
    %dma_wait3A_44 = tpu.memref_slice %arg2[%add3A_13, %dma_wait3A_43] : memref<4096x1024xf32, #tpu.memory_space<hbm>> -> memref<32x1024xf32, #tpu.memory_space<hbm>>
    %dma_wait3A_45 = arith.constant 0 : i32
    %dma_wait3A_46 = tpu.memref_slice %arg2[%add3A_13, %dma_wait3A_45] : memref<4096x1024xf32, #tpu.memory_space<hbm>> -> memref<32x1024xf32, #tpu.memory_space<hbm>>
    tpu.wait_dma2 semaphore(%arg9 : memref<!tpu.dma_semaphore, #tpu.memory_space<semaphore_mem>>) src(%dma_wait3A_46 : memref<32x1024xf32, #tpu.memory_space<hbm>>) dst(%arg7 : memref<32x1024xf32, #tpu.memory_space<vmem>>)
    %dma_start3A_47 = arith.constant 1 : i32
    %dma_start3A_48 = arith.constant 0 : i32
    %dma_start3A_49 = tpu.memref_slice %arg5[%dma_start3A_47, %dma_start3A_48] : memref<4x32xi32, #tpu.memory_space<vmem>> -> memref<1x32xi32, #tpu.memory_space<vmem>>
    %dma_start3A_50 = tpu.memref_squeeze %dma_start3A_49 : memref<1x32xi32, #tpu.memory_space<vmem>> -> memref<32xi32, #tpu.memory_space<vmem>>
    %dma_start3A_51 = arith.constant 0 : i32
    %dma_start3A_52 = arith.constant 0 : i32
    %dma_start3A_53 = tpu.memref_slice %arg4[%dma_start3A_51, %dma_start3A_52] : memref<4096x1024xf32, #tpu.memory_space<hbm>> -> memref<4096x1024xf32, #tpu.memory_space<hbm>>
    tpu.enqueue_indirect_dma source(%arg7 : memref<32x1024xf32, #tpu.memory_space<vmem>>) target(%dma_start3A_53 : memref<4096x1024xf32, #tpu.memory_space<hbm>>) offsets(%dma_start3A_50 : memref<32xi32, #tpu.memory_space<vmem>>) semaphore(%arg11 : memref<!tpu.dma_semaphore, #tpu.memory_space<semaphore_mem>>)
    %dma_wait3A_54 = arith.constant 1 : i32
    %dma_wait3A_55 = arith.constant 0 : i32
    %dma_wait3A_56 = tpu.memref_slice %arg5[%dma_wait3A_54, %dma_wait3A_55] : memref<4x32xi32, #tpu.memory_space<vmem>> -> memref<1x32xi32, #tpu.memory_space<vmem>>
    %dma_wait3A_57 = tpu.memref_squeeze %dma_wait3A_56 : memref<1x32xi32, #tpu.memory_space<vmem>> -> memref<32xi32, #tpu.memory_space<vmem>>
    %dma_wait3A_58 = arith.constant 0 : i32
    %dma_wait3A_59 = arith.constant 0 : i32
    %dma_wait3A_60 = tpu.memref_slice %arg4[%dma_wait3A_58, %dma_wait3A_59] : memref<4096x1024xf32, #tpu.memory_space<hbm>> -> memref<4096x1024xf32, #tpu.memory_space<hbm>>
    tpu.wait_indirect_dma semaphore(%arg11 : memref<!tpu.dma_semaphore, #tpu.memory_space<semaphore_mem>>) src(%arg7 : memref<32x1024xf32, #tpu.memory_space<vmem>>) dst(%dma_wait3A_60 : memref<4096x1024xf32, #tpu.memory_space<hbm>>)
    %mul3A_61 = arith.constant 128 : i32
    %mul3A_62 = arith.muli %add3A, %mul3A_61 : i32
    %add3A_63 = arith.constant 96 : i32
    %add3A_64 = arith.addi %mul3A_62, %add3A_63 : i32
    %dma_start3A_65 = arith.constant 0 : i32
    %dma_start3A_66 = tpu.memref_slice %arg2[%add3A_64, %dma_start3A_65] : memref<4096x1024xf32, #tpu.memory_space<hbm>> -> memref<32x1024xf32, #tpu.memory_space<hbm>>
    %dma_start3A_67 = arith.constant 0 : i32
    %dma_start3A_68 = tpu.memref_slice %arg2[%add3A_64, %dma_start3A_67] : memref<4096x1024xf32, #tpu.memory_space<hbm>> -> memref<32x1024xf32, #tpu.memory_space<hbm>>
    tpu.enqueue_dma source(%dma_start3A_68 : memref<32x1024xf32, #tpu.memory_space<hbm>>) target(%arg7 : memref<32x1024xf32, #tpu.memory_space<vmem>>) target_semaphore(%arg9 : memref<!tpu.dma_semaphore, #tpu.memory_space<semaphore_mem>>)
    %dma_wait3A_69 = arith.constant 0 : i32
    %dma_wait3A_70 = tpu.memref_slice %arg2[%add3A_38, %dma_wait3A_69] : memref<4096x1024xf32, #tpu.memory_space<hbm>> -> memref<32x1024xf32, #tpu.memory_space<hbm>>
    %dma_wait3A_71 = arith.constant 0 : i32
    %dma_wait3A_72 = tpu.memref_slice %arg2[%add3A_38, %dma_wait3A_71] : memref<4096x1024xf32, #tpu.memory_space<hbm>> -> memref<32x1024xf32, #tpu.memory_space<hbm>>
    tpu.wait_dma2 semaphore(%arg8 : memref<!tpu.dma_semaphore, #tpu.memory_space<semaphore_mem>>) src(%dma_wait3A_72 : memref<32x1024xf32, #tpu.memory_space<hbm>>) dst(%arg6 : memref<32x1024xf32, #tpu.memory_space<vmem>>)
    %dma_start3A_73 = arith.constant 2 : i32
    %dma_start3A_74 = arith.constant 0 : i32
    %dma_start3A_75 = tpu.memref_slice %arg5[%dma_start3A_73, %dma_start3A_74] : memref<4x32xi32, #tpu.memory_space<vmem>> -> memref<1x32xi32, #tpu.memory_space<vmem>>
    %dma_start3A_76 = tpu.memref_squeeze %dma_start3A_75 : memref<1x32xi32, #tpu.memory_space<vmem>> -> memref<32xi32, #tpu.memory_space<vmem>>
    %dma_start3A_77 = arith.constant 0 : i32
    %dma_start3A_78 = arith.constant 0 : i32
    %dma_start3A_79 = tpu.memref_slice %arg4[%dma_start3A_77, %dma_start3A_78] : memref<4096x1024xf32, #tpu.memory_space<hbm>> -> memref<4096x1024xf32, #tpu.memory_space<hbm>>
    tpu.enqueue_indirect_dma source(%arg6 : memref<32x1024xf32, #tpu.memory_space<vmem>>) target(%dma_start3A_79 : memref<4096x1024xf32, #tpu.memory_space<hbm>>) offsets(%dma_start3A_76 : memref<32xi32, #tpu.memory_space<vmem>>) semaphore(%arg10 : memref<!tpu.dma_semaphore, #tpu.memory_space<semaphore_mem>>)
    %dma_wait3A_80 = arith.constant 0 : i32
    %dma_wait3A_81 = tpu.memref_slice %arg2[%add3A_64, %dma_wait3A_80] : memref<4096x1024xf32, #tpu.memory_space<hbm>> -> memref<32x1024xf32, #tpu.memory_space<hbm>>
    %dma_wait3A_82 = arith.constant 0 : i32
    %dma_wait3A_83 = tpu.memref_slice %arg2[%add3A_64, %dma_wait3A_82] : memref<4096x1024xf32, #tpu.memory_space<hbm>> -> memref<32x1024xf32, #tpu.memory_space<hbm>>
    tpu.wait_dma2 semaphore(%arg9 : memref<!tpu.dma_semaphore, #tpu.memory_space<semaphore_mem>>) src(%dma_wait3A_83 : memref<32x1024xf32, #tpu.memory_space<hbm>>) dst(%arg7 : memref<32x1024xf32, #tpu.memory_space<vmem>>)
    %dma_start3A_84 = arith.constant 3 : i32
    %dma_start3A_85 = arith.constant 0 : i32
    %dma_start3A_86 = tpu.memref_slice %arg5[%dma_start3A_84, %dma_start3A_85] : memref<4x32xi32, #tpu.memory_space<vmem>> -> memref<1x32xi32, #tpu.memory_space<vmem>>
    %dma_start3A_87 = tpu.memref_squeeze %dma_start3A_86 : memref<1x32xi32, #tpu.memory_space<vmem>> -> memref<32xi32, #tpu.memory_space<vmem>>
    %dma_start3A_88 = arith.constant 0 : i32
    %dma_start3A_89 = arith.constant 0 : i32
    %dma_start3A_90 = tpu.memref_slice %arg4[%dma_start3A_88, %dma_start3A_89] : memref<4096x1024xf32, #tpu.memory_space<hbm>> -> memref<4096x1024xf32, #tpu.memory_space<hbm>>
    tpu.enqueue_indirect_dma source(%arg7 : memref<32x1024xf32, #tpu.memory_space<vmem>>) target(%dma_start3A_90 : memref<4096x1024xf32, #tpu.memory_space<hbm>>) offsets(%dma_start3A_87 : memref<32xi32, #tpu.memory_space<vmem>>) semaphore(%arg11 : memref<!tpu.dma_semaphore, #tpu.memory_space<semaphore_mem>>)
    %dma_wait3A_91 = arith.constant 2 : i32
    %dma_wait3A_92 = arith.constant 0 : i32
    %dma_wait3A_93 = tpu.memref_slice %arg5[%dma_wait3A_91, %dma_wait3A_92] : memref<4x32xi32, #tpu.memory_space<vmem>> -> memref<1x32xi32, #tpu.memory_space<vmem>>
    %dma_wait3A_94 = tpu.memref_squeeze %dma_wait3A_93 : memref<1x32xi32, #tpu.memory_space<vmem>> -> memref<32xi32, #tpu.memory_space<vmem>>
    %dma_wait3A_95 = arith.constant 0 : i32
    %dma_wait3A_96 = arith.constant 0 : i32
    %dma_wait3A_97 = tpu.memref_slice %arg4[%dma_wait3A_95, %dma_wait3A_96] : memref<4096x1024xf32, #tpu.memory_space<hbm>> -> memref<4096x1024xf32, #tpu.memory_space<hbm>>
    tpu.wait_indirect_dma semaphore(%arg10 : memref<!tpu.dma_semaphore, #tpu.memory_space<semaphore_mem>>) src(%arg6 : memref<32x1024xf32, #tpu.memory_space<vmem>>) dst(%dma_wait3A_97 : memref<4096x1024xf32, #tpu.memory_space<hbm>>)
    %dma_wait3A_98 = arith.constant 3 : i32
    %dma_wait3A_99 = arith.constant 0 : i32
    %dma_wait3A_100 = tpu.memref_slice %arg5[%dma_wait3A_98, %dma_wait3A_99] : memref<4x32xi32, #tpu.memory_space<vmem>> -> memref<1x32xi32, #tpu.memory_space<vmem>>
    %dma_wait3A_101 = tpu.memref_squeeze %dma_wait3A_100 : memref<1x32xi32, #tpu.memory_space<vmem>> -> memref<32xi32, #tpu.memory_space<vmem>>
    %dma_wait3A_102 = arith.constant 0 : i32
    %dma_wait3A_103 = arith.constant 0 : i32
    %dma_wait3A_104 = tpu.memref_slice %arg4[%dma_wait3A_102, %dma_wait3A_103] : memref<4096x1024xf32, #tpu.memory_space<hbm>> -> memref<4096x1024xf32, #tpu.memory_space<hbm>>
    tpu.wait_indirect_dma semaphore(%arg11 : memref<!tpu.dma_semaphore, #tpu.memory_space<semaphore_mem>>) src(%arg7 : memref<32x1024xf32, #tpu.memory_space<vmem>>) dst(%dma_wait3A_104 : memref<4096x1024xf32, #tpu.memory_space<hbm>>)
    return
  }
}

module attributes {stable_mosaic.version = 14 : i64} {
  func.func @_meta_body(%arg0: memref<128x32xi32, #tpu.memory_space<vmem>>, %arg1: memref<128x32xi32, #tpu.memory_space<vmem>>, %arg2: memref<4x16xi32, #tpu.memory_space<vmem>>) attributes {dimension_semantics = [], scalar_prefetch = 0 : i64, scratch_operands = 0 : i64, tpu.core_type = #tpu.core_type<tc>} {
    %get3A = arith.constant 0 : index
    %get3A_0 = arith.constant 0 : index
    %get3A_1 = vector.load %arg0[%get3A, %get3A_0] : memref<128x32xi32, #tpu.memory_space<vmem>>, vector<128x32xi32>
    %iota3A = tpu.iota {dimensions = array<i32: 0>} : vector<32x32xi32>
    %iota3A_2 = tpu.iota {dimensions = array<i32: 1>} : vector<32x32xi32>
    %le3A = arith.cmpi sle, %iota3A, %iota3A_2 : vector<32x32xi32>
    %convert_element_type3A = arith.extui %le3A : vector<32x32xi1> to vector<32x32xi32>
    %convert_element_type3A_3 = arith.sitofp %convert_element_type3A : vector<32x32xi32> to vector<32x32xf32>
    %iota3A_4 = tpu.iota {dimensions = array<i32: 0>} : vector<128x128xi32>
    %iota3A_5 = tpu.iota {dimensions = array<i32: 1>} : vector<128x128xi32>
    %lt3A = arith.cmpi slt, %iota3A_5, %iota3A_4 : vector<128x128xi32>
    %convert_element_type3A_6 = arith.extui %lt3A : vector<128x128xi1> to vector<128x128xi32>
    %convert_element_type3A_7 = arith.sitofp %convert_element_type3A_6 : vector<128x128xi32> to vector<128x128xf32>
    %broadcast_in_dim3A = arith.constant 0.000000e+00 : f32
    %broadcast_in_dim3A_8 = vector.broadcast %broadcast_in_dim3A : f32 to vector<128x32xf32>
    %broadcast_in_dim3A_9 = arith.constant 0.000000e+00 : f32
    %broadcast_in_dim3A_10 = vector.broadcast %broadcast_in_dim3A_9 : f32 to vector<1x1xf32>
    %eq3A = arith.constant 0 : i32
    %eq3A_11 = vector.broadcast %eq3A : i32 to vector<128x32xi32>
    %eq3A_12 = arith.cmpi eq, %get3A_1, %eq3A_11 : vector<128x32xi32>
    %convert_element_type3A_13 = arith.extui %eq3A_12 : vector<128x32xi1> to vector<128x32xi32>
    %convert_element_type3A_14 = arith.sitofp %convert_element_type3A_13 : vector<128x32xi32> to vector<128x32xf32>
    %dot_general3A = arith.constant dense<0.000000e+00> : vector<128x32xf32>
    %dot_general3A_15 = tpu.matmul %convert_element_type3A_14, %convert_element_type3A_3, %dot_general3A {dimension_numbers = #tpu.dot_dimension_numbers<[1], [0], [0], [1], [0, 0, 1, 1], [], []>, precision = #tpu.contract_precision<fp32>, transpose_lhs_hint = false} : vector<128x32xf32>, vector<32x32xf32>, vector<128x32xf32> -> vector<128x32xf32>
    %slice3A = vector.extract_strided_slice %dot_general3A_15 {offsets = [0, 31], sizes = [128, 1], strides = [1, 1]} : vector<128x32xf32> to vector<128x1xf32>
    %dot_general3A_16 = arith.constant dense<0.000000e+00> : vector<128x1xf32>
    %dot_general3A_17 = tpu.matmul %convert_element_type3A_7, %slice3A, %dot_general3A_16 {dimension_numbers = #tpu.dot_dimension_numbers<[1], [0], [0], [1], [0, 0, 1, 1], [], []>, precision = #tpu.contract_precision<fp32>, transpose_lhs_hint = false} : vector<128x128xf32>, vector<128x1xf32>, vector<128x1xf32> -> vector<128x1xf32>
    %sub3A = arith.subf %dot_general3A_15, %convert_element_type3A_14 : vector<128x32xf32>
    %add3A = vector.broadcast %dot_general3A_17 : vector<128x1xf32> to vector<128x32xf32>
    %add3A_18 = arith.addf %sub3A, %add3A : vector<128x32xf32>
    %add3A_19 = vector.broadcast %broadcast_in_dim3A_10 : vector<1x1xf32> to vector<128x32xf32>
    %add3A_20 = arith.addf %add3A_19, %add3A_18 : vector<128x32xf32>
    %mul3A = arith.mulf %convert_element_type3A_14, %add3A_20 : vector<128x32xf32>
    %add3A_21 = arith.addf %broadcast_in_dim3A_8, %mul3A : vector<128x32xf32>
    %slice3A_22 = vector.extract_strided_slice %dot_general3A_17 {offsets = [127, 0], sizes = [1, 1], strides = [1, 1]} : vector<128x1xf32> to vector<1x1xf32>
    %add3A_23 = arith.addf %broadcast_in_dim3A_10, %slice3A_22 : vector<1x1xf32>
    %slice3A_24 = vector.extract_strided_slice %slice3A {offsets = [127, 0], sizes = [1, 1], strides = [1, 1]} : vector<128x1xf32> to vector<1x1xf32>
    %add3A_25 = arith.addf %add3A_23, %slice3A_24 : vector<1x1xf32>
    %eq3A_26 = arith.constant 1 : i32
    %eq3A_27 = vector.broadcast %eq3A_26 : i32 to vector<128x32xi32>
    %eq3A_28 = arith.cmpi eq, %get3A_1, %eq3A_27 : vector<128x32xi32>
    %convert_element_type3A_29 = arith.extui %eq3A_28 : vector<128x32xi1> to vector<128x32xi32>
    %convert_element_type3A_30 = arith.sitofp %convert_element_type3A_29 : vector<128x32xi32> to vector<128x32xf32>
    %dot_general3A_31 = arith.constant dense<0.000000e+00> : vector<128x32xf32>
    %dot_general3A_32 = tpu.matmul %convert_element_type3A_30, %convert_element_type3A_3, %dot_general3A_31 {dimension_numbers = #tpu.dot_dimension_numbers<[1], [0], [0], [1], [0, 0, 1, 1], [], []>, precision = #tpu.contract_precision<fp32>, transpose_lhs_hint = false} : vector<128x32xf32>, vector<32x32xf32>, vector<128x32xf32> -> vector<128x32xf32>
    %slice3A_33 = vector.extract_strided_slice %dot_general3A_32 {offsets = [0, 31], sizes = [128, 1], strides = [1, 1]} : vector<128x32xf32> to vector<128x1xf32>
    %dot_general3A_34 = arith.constant dense<0.000000e+00> : vector<128x1xf32>
    %dot_general3A_35 = tpu.matmul %convert_element_type3A_7, %slice3A_33, %dot_general3A_34 {dimension_numbers = #tpu.dot_dimension_numbers<[1], [0], [0], [1], [0, 0, 1, 1], [], []>, precision = #tpu.contract_precision<fp32>, transpose_lhs_hint = false} : vector<128x128xf32>, vector<128x1xf32>, vector<128x1xf32> -> vector<128x1xf32>
    %sub3A_36 = arith.subf %dot_general3A_32, %convert_element_type3A_30 : vector<128x32xf32>
    %add3A_37 = vector.broadcast %dot_general3A_35 : vector<128x1xf32> to vector<128x32xf32>
    %add3A_38 = arith.addf %sub3A_36, %add3A_37 : vector<128x32xf32>
    %add3A_39 = vector.broadcast %add3A_25 : vector<1x1xf32> to vector<128x32xf32>
    %add3A_40 = arith.addf %add3A_39, %add3A_38 : vector<128x32xf32>
    %mul3A_41 = arith.mulf %convert_element_type3A_30, %add3A_40 : vector<128x32xf32>
    %add3A_42 = arith.addf %add3A_21, %mul3A_41 : vector<128x32xf32>
    %slice3A_43 = vector.extract_strided_slice %dot_general3A_35 {offsets = [127, 0], sizes = [1, 1], strides = [1, 1]} : vector<128x1xf32> to vector<1x1xf32>
    %add3A_44 = arith.addf %add3A_25, %slice3A_43 : vector<1x1xf32>
    %slice3A_45 = vector.extract_strided_slice %slice3A_33 {offsets = [127, 0], sizes = [1, 1], strides = [1, 1]} : vector<128x1xf32> to vector<1x1xf32>
    %add3A_46 = arith.addf %add3A_44, %slice3A_45 : vector<1x1xf32>
    %eq3A_47 = arith.constant 2 : i32
    %eq3A_48 = vector.broadcast %eq3A_47 : i32 to vector<128x32xi32>
    %eq3A_49 = arith.cmpi eq, %get3A_1, %eq3A_48 : vector<128x32xi32>
    %convert_element_type3A_50 = arith.extui %eq3A_49 : vector<128x32xi1> to vector<128x32xi32>
    %convert_element_type3A_51 = arith.sitofp %convert_element_type3A_50 : vector<128x32xi32> to vector<128x32xf32>
    %dot_general3A_52 = arith.constant dense<0.000000e+00> : vector<128x32xf32>
    %dot_general3A_53 = tpu.matmul %convert_element_type3A_51, %convert_element_type3A_3, %dot_general3A_52 {dimension_numbers = #tpu.dot_dimension_numbers<[1], [0], [0], [1], [0, 0, 1, 1], [], []>, precision = #tpu.contract_precision<fp32>, transpose_lhs_hint = false} : vector<128x32xf32>, vector<32x32xf32>, vector<128x32xf32> -> vector<128x32xf32>
    %slice3A_54 = vector.extract_strided_slice %dot_general3A_53 {offsets = [0, 31], sizes = [128, 1], strides = [1, 1]} : vector<128x32xf32> to vector<128x1xf32>
    %dot_general3A_55 = arith.constant dense<0.000000e+00> : vector<128x1xf32>
    %dot_general3A_56 = tpu.matmul %convert_element_type3A_7, %slice3A_54, %dot_general3A_55 {dimension_numbers = #tpu.dot_dimension_numbers<[1], [0], [0], [1], [0, 0, 1, 1], [], []>, precision = #tpu.contract_precision<fp32>, transpose_lhs_hint = false} : vector<128x128xf32>, vector<128x1xf32>, vector<128x1xf32> -> vector<128x1xf32>
    %sub3A_57 = arith.subf %dot_general3A_53, %convert_element_type3A_51 : vector<128x32xf32>
    %add3A_58 = vector.broadcast %dot_general3A_56 : vector<128x1xf32> to vector<128x32xf32>
    %add3A_59 = arith.addf %sub3A_57, %add3A_58 : vector<128x32xf32>
    %add3A_60 = vector.broadcast %add3A_46 : vector<1x1xf32> to vector<128x32xf32>
    %add3A_61 = arith.addf %add3A_60, %add3A_59 : vector<128x32xf32>
    %mul3A_62 = arith.mulf %convert_element_type3A_51, %add3A_61 : vector<128x32xf32>
    %add3A_63 = arith.addf %add3A_42, %mul3A_62 : vector<128x32xf32>
    %slice3A_64 = vector.extract_strided_slice %dot_general3A_56 {offsets = [127, 0], sizes = [1, 1], strides = [1, 1]} : vector<128x1xf32> to vector<1x1xf32>
    %add3A_65 = arith.addf %add3A_46, %slice3A_64 : vector<1x1xf32>
    %slice3A_66 = vector.extract_strided_slice %slice3A_54 {offsets = [127, 0], sizes = [1, 1], strides = [1, 1]} : vector<128x1xf32> to vector<1x1xf32>
    %add3A_67 = arith.addf %add3A_65, %slice3A_66 : vector<1x1xf32>
    %eq3A_68 = arith.constant 3 : i32
    %eq3A_69 = vector.broadcast %eq3A_68 : i32 to vector<128x32xi32>
    %eq3A_70 = arith.cmpi eq, %get3A_1, %eq3A_69 : vector<128x32xi32>
    %convert_element_type3A_71 = arith.extui %eq3A_70 : vector<128x32xi1> to vector<128x32xi32>
    %convert_element_type3A_72 = arith.sitofp %convert_element_type3A_71 : vector<128x32xi32> to vector<128x32xf32>
    %dot_general3A_73 = arith.constant dense<0.000000e+00> : vector<128x32xf32>
    %dot_general3A_74 = tpu.matmul %convert_element_type3A_72, %convert_element_type3A_3, %dot_general3A_73 {dimension_numbers = #tpu.dot_dimension_numbers<[1], [0], [0], [1], [0, 0, 1, 1], [], []>, precision = #tpu.contract_precision<fp32>, transpose_lhs_hint = false} : vector<128x32xf32>, vector<32x32xf32>, vector<128x32xf32> -> vector<128x32xf32>
    %slice3A_75 = vector.extract_strided_slice %dot_general3A_74 {offsets = [0, 31], sizes = [128, 1], strides = [1, 1]} : vector<128x32xf32> to vector<128x1xf32>
    %dot_general3A_76 = arith.constant dense<0.000000e+00> : vector<128x1xf32>
    %dot_general3A_77 = tpu.matmul %convert_element_type3A_7, %slice3A_75, %dot_general3A_76 {dimension_numbers = #tpu.dot_dimension_numbers<[1], [0], [0], [1], [0, 0, 1, 1], [], []>, precision = #tpu.contract_precision<fp32>, transpose_lhs_hint = false} : vector<128x128xf32>, vector<128x1xf32>, vector<128x1xf32> -> vector<128x1xf32>
    %sub3A_78 = arith.subf %dot_general3A_74, %convert_element_type3A_72 : vector<128x32xf32>
    %add3A_79 = vector.broadcast %dot_general3A_77 : vector<128x1xf32> to vector<128x32xf32>
    %add3A_80 = arith.addf %sub3A_78, %add3A_79 : vector<128x32xf32>
    %add3A_81 = vector.broadcast %add3A_67 : vector<1x1xf32> to vector<128x32xf32>
    %add3A_82 = arith.addf %add3A_81, %add3A_80 : vector<128x32xf32>
    %mul3A_83 = arith.mulf %convert_element_type3A_72, %add3A_82 : vector<128x32xf32>
    %add3A_84 = arith.addf %add3A_63, %mul3A_83 : vector<128x32xf32>
    %slice3A_85 = vector.extract_strided_slice %dot_general3A_77 {offsets = [127, 0], sizes = [1, 1], strides = [1, 1]} : vector<128x1xf32> to vector<1x1xf32>
    %add3A_86 = arith.addf %add3A_67, %slice3A_85 : vector<1x1xf32>
    %slice3A_87 = vector.extract_strided_slice %slice3A_75 {offsets = [127, 0], sizes = [1, 1], strides = [1, 1]} : vector<128x1xf32> to vector<1x1xf32>
    %add3A_88 = arith.addf %add3A_86, %slice3A_87 : vector<1x1xf32>
    %eq3A_89 = arith.constant 4 : i32
    %eq3A_90 = vector.broadcast %eq3A_89 : i32 to vector<128x32xi32>
    %eq3A_91 = arith.cmpi eq, %get3A_1, %eq3A_90 : vector<128x32xi32>
    %convert_element_type3A_92 = arith.extui %eq3A_91 : vector<128x32xi1> to vector<128x32xi32>
    %convert_element_type3A_93 = arith.sitofp %convert_element_type3A_92 : vector<128x32xi32> to vector<128x32xf32>
    %dot_general3A_94 = arith.constant dense<0.000000e+00> : vector<128x32xf32>
    %dot_general3A_95 = tpu.matmul %convert_element_type3A_93, %convert_element_type3A_3, %dot_general3A_94 {dimension_numbers = #tpu.dot_dimension_numbers<[1], [0], [0], [1], [0, 0, 1, 1], [], []>, precision = #tpu.contract_precision<fp32>, transpose_lhs_hint = false} : vector<128x32xf32>, vector<32x32xf32>, vector<128x32xf32> -> vector<128x32xf32>
    %slice3A_96 = vector.extract_strided_slice %dot_general3A_95 {offsets = [0, 31], sizes = [128, 1], strides = [1, 1]} : vector<128x32xf32> to vector<128x1xf32>
    %dot_general3A_97 = arith.constant dense<0.000000e+00> : vector<128x1xf32>
    %dot_general3A_98 = tpu.matmul %convert_element_type3A_7, %slice3A_96, %dot_general3A_97 {dimension_numbers = #tpu.dot_dimension_numbers<[1], [0], [0], [1], [0, 0, 1, 1], [], []>, precision = #tpu.contract_precision<fp32>, transpose_lhs_hint = false} : vector<128x128xf32>, vector<128x1xf32>, vector<128x1xf32> -> vector<128x1xf32>
    %sub3A_99 = arith.subf %dot_general3A_95, %convert_element_type3A_93 : vector<128x32xf32>
    %add3A_100 = vector.broadcast %dot_general3A_98 : vector<128x1xf32> to vector<128x32xf32>
    %add3A_101 = arith.addf %sub3A_99, %add3A_100 : vector<128x32xf32>
    %add3A_102 = vector.broadcast %add3A_88 : vector<1x1xf32> to vector<128x32xf32>
    %add3A_103 = arith.addf %add3A_102, %add3A_101 : vector<128x32xf32>
    %mul3A_104 = arith.mulf %convert_element_type3A_93, %add3A_103 : vector<128x32xf32>
    %add3A_105 = arith.addf %add3A_84, %mul3A_104 : vector<128x32xf32>
    %slice3A_106 = vector.extract_strided_slice %dot_general3A_98 {offsets = [127, 0], sizes = [1, 1], strides = [1, 1]} : vector<128x1xf32> to vector<1x1xf32>
    %add3A_107 = arith.addf %add3A_88, %slice3A_106 : vector<1x1xf32>
    %slice3A_108 = vector.extract_strided_slice %slice3A_96 {offsets = [127, 0], sizes = [1, 1], strides = [1, 1]} : vector<128x1xf32> to vector<1x1xf32>
    %add3A_109 = arith.addf %add3A_107, %slice3A_108 : vector<1x1xf32>
    %eq3A_110 = arith.constant 5 : i32
    %eq3A_111 = vector.broadcast %eq3A_110 : i32 to vector<128x32xi32>
    %eq3A_112 = arith.cmpi eq, %get3A_1, %eq3A_111 : vector<128x32xi32>
    %convert_element_type3A_113 = arith.extui %eq3A_112 : vector<128x32xi1> to vector<128x32xi32>
    %convert_element_type3A_114 = arith.sitofp %convert_element_type3A_113 : vector<128x32xi32> to vector<128x32xf32>
    %dot_general3A_115 = arith.constant dense<0.000000e+00> : vector<128x32xf32>
    %dot_general3A_116 = tpu.matmul %convert_element_type3A_114, %convert_element_type3A_3, %dot_general3A_115 {dimension_numbers = #tpu.dot_dimension_numbers<[1], [0], [0], [1], [0, 0, 1, 1], [], []>, precision = #tpu.contract_precision<fp32>, transpose_lhs_hint = false} : vector<128x32xf32>, vector<32x32xf32>, vector<128x32xf32> -> vector<128x32xf32>
    %slice3A_117 = vector.extract_strided_slice %dot_general3A_116 {offsets = [0, 31], sizes = [128, 1], strides = [1, 1]} : vector<128x32xf32> to vector<128x1xf32>
    %dot_general3A_118 = arith.constant dense<0.000000e+00> : vector<128x1xf32>
    %dot_general3A_119 = tpu.matmul %convert_element_type3A_7, %slice3A_117, %dot_general3A_118 {dimension_numbers = #tpu.dot_dimension_numbers<[1], [0], [0], [1], [0, 0, 1, 1], [], []>, precision = #tpu.contract_precision<fp32>, transpose_lhs_hint = false} : vector<128x128xf32>, vector<128x1xf32>, vector<128x1xf32> -> vector<128x1xf32>
    %sub3A_120 = arith.subf %dot_general3A_116, %convert_element_type3A_114 : vector<128x32xf32>
    %add3A_121 = vector.broadcast %dot_general3A_119 : vector<128x1xf32> to vector<128x32xf32>
    %add3A_122 = arith.addf %sub3A_120, %add3A_121 : vector<128x32xf32>
    %add3A_123 = vector.broadcast %add3A_109 : vector<1x1xf32> to vector<128x32xf32>
    %add3A_124 = arith.addf %add3A_123, %add3A_122 : vector<128x32xf32>
    %mul3A_125 = arith.mulf %convert_element_type3A_114, %add3A_124 : vector<128x32xf32>
    %add3A_126 = arith.addf %add3A_105, %mul3A_125 : vector<128x32xf32>
    %slice3A_127 = vector.extract_strided_slice %dot_general3A_119 {offsets = [127, 0], sizes = [1, 1], strides = [1, 1]} : vector<128x1xf32> to vector<1x1xf32>
    %add3A_128 = arith.addf %add3A_109, %slice3A_127 : vector<1x1xf32>
    %slice3A_129 = vector.extract_strided_slice %slice3A_117 {offsets = [127, 0], sizes = [1, 1], strides = [1, 1]} : vector<128x1xf32> to vector<1x1xf32>
    %add3A_130 = arith.addf %add3A_128, %slice3A_129 : vector<1x1xf32>
    %eq3A_131 = arith.constant 6 : i32
    %eq3A_132 = vector.broadcast %eq3A_131 : i32 to vector<128x32xi32>
    %eq3A_133 = arith.cmpi eq, %get3A_1, %eq3A_132 : vector<128x32xi32>
    %convert_element_type3A_134 = arith.extui %eq3A_133 : vector<128x32xi1> to vector<128x32xi32>
    %convert_element_type3A_135 = arith.sitofp %convert_element_type3A_134 : vector<128x32xi32> to vector<128x32xf32>
    %dot_general3A_136 = arith.constant dense<0.000000e+00> : vector<128x32xf32>
    %dot_general3A_137 = tpu.matmul %convert_element_type3A_135, %convert_element_type3A_3, %dot_general3A_136 {dimension_numbers = #tpu.dot_dimension_numbers<[1], [0], [0], [1], [0, 0, 1, 1], [], []>, precision = #tpu.contract_precision<fp32>, transpose_lhs_hint = false} : vector<128x32xf32>, vector<32x32xf32>, vector<128x32xf32> -> vector<128x32xf32>
    %slice3A_138 = vector.extract_strided_slice %dot_general3A_137 {offsets = [0, 31], sizes = [128, 1], strides = [1, 1]} : vector<128x32xf32> to vector<128x1xf32>
    %dot_general3A_139 = arith.constant dense<0.000000e+00> : vector<128x1xf32>
    %dot_general3A_140 = tpu.matmul %convert_element_type3A_7, %slice3A_138, %dot_general3A_139 {dimension_numbers = #tpu.dot_dimension_numbers<[1], [0], [0], [1], [0, 0, 1, 1], [], []>, precision = #tpu.contract_precision<fp32>, transpose_lhs_hint = false} : vector<128x128xf32>, vector<128x1xf32>, vector<128x1xf32> -> vector<128x1xf32>
    %sub3A_141 = arith.subf %dot_general3A_137, %convert_element_type3A_135 : vector<128x32xf32>
    %add3A_142 = vector.broadcast %dot_general3A_140 : vector<128x1xf32> to vector<128x32xf32>
    %add3A_143 = arith.addf %sub3A_141, %add3A_142 : vector<128x32xf32>
    %add3A_144 = vector.broadcast %add3A_130 : vector<1x1xf32> to vector<128x32xf32>
    %add3A_145 = arith.addf %add3A_144, %add3A_143 : vector<128x32xf32>
    %mul3A_146 = arith.mulf %convert_element_type3A_135, %add3A_145 : vector<128x32xf32>
    %add3A_147 = arith.addf %add3A_126, %mul3A_146 : vector<128x32xf32>
    %slice3A_148 = vector.extract_strided_slice %dot_general3A_140 {offsets = [127, 0], sizes = [1, 1], strides = [1, 1]} : vector<128x1xf32> to vector<1x1xf32>
    %add3A_149 = arith.addf %add3A_130, %slice3A_148 : vector<1x1xf32>
    %slice3A_150 = vector.extract_strided_slice %slice3A_138 {offsets = [127, 0], sizes = [1, 1], strides = [1, 1]} : vector<128x1xf32> to vector<1x1xf32>
    %add3A_151 = arith.addf %add3A_149, %slice3A_150 : vector<1x1xf32>
    %eq3A_152 = arith.constant 7 : i32
    %eq3A_153 = vector.broadcast %eq3A_152 : i32 to vector<128x32xi32>
    %eq3A_154 = arith.cmpi eq, %get3A_1, %eq3A_153 : vector<128x32xi32>
    %convert_element_type3A_155 = arith.extui %eq3A_154 : vector<128x32xi1> to vector<128x32xi32>
    %convert_element_type3A_156 = arith.sitofp %convert_element_type3A_155 : vector<128x32xi32> to vector<128x32xf32>
    %dot_general3A_157 = arith.constant dense<0.000000e+00> : vector<128x32xf32>
    %dot_general3A_158 = tpu.matmul %convert_element_type3A_156, %convert_element_type3A_3, %dot_general3A_157 {dimension_numbers = #tpu.dot_dimension_numbers<[1], [0], [0], [1], [0, 0, 1, 1], [], []>, precision = #tpu.contract_precision<fp32>, transpose_lhs_hint = false} : vector<128x32xf32>, vector<32x32xf32>, vector<128x32xf32> -> vector<128x32xf32>
    %slice3A_159 = vector.extract_strided_slice %dot_general3A_158 {offsets = [0, 31], sizes = [128, 1], strides = [1, 1]} : vector<128x32xf32> to vector<128x1xf32>
    %dot_general3A_160 = arith.constant dense<0.000000e+00> : vector<128x1xf32>
    %dot_general3A_161 = tpu.matmul %convert_element_type3A_7, %slice3A_159, %dot_general3A_160 {dimension_numbers = #tpu.dot_dimension_numbers<[1], [0], [0], [1], [0, 0, 1, 1], [], []>, precision = #tpu.contract_precision<fp32>, transpose_lhs_hint = false} : vector<128x128xf32>, vector<128x1xf32>, vector<128x1xf32> -> vector<128x1xf32>
    %sub3A_162 = arith.subf %dot_general3A_158, %convert_element_type3A_156 : vector<128x32xf32>
    %add3A_163 = vector.broadcast %dot_general3A_161 : vector<128x1xf32> to vector<128x32xf32>
    %add3A_164 = arith.addf %sub3A_162, %add3A_163 : vector<128x32xf32>
    %add3A_165 = vector.broadcast %add3A_151 : vector<1x1xf32> to vector<128x32xf32>
    %add3A_166 = arith.addf %add3A_165, %add3A_164 : vector<128x32xf32>
    %mul3A_167 = arith.mulf %convert_element_type3A_156, %add3A_166 : vector<128x32xf32>
    %add3A_168 = arith.addf %add3A_147, %mul3A_167 : vector<128x32xf32>
    %convert_element_type3A_169 = arith.fptosi %add3A_168 : vector<128x32xf32> to vector<128x32xi32>
    %swap3A = arith.constant 0 : index
    %swap3A_170 = arith.constant 0 : index
    %swap3A_171 = vector.load %arg1[%swap3A, %swap3A_170] : memref<128x32xi32, #tpu.memory_space<vmem>>, vector<128x32xi32>
    tpu.vector_store %arg1[%swap3A, %swap3A_170], %convert_element_type3A_169 {strides = array<i32>} : memref<128x32xi32, #tpu.memory_space<vmem>>, vector<128x32xi32>,
    %iota3A_172 = tpu.iota {dimensions = array<i32: 1>} : vector<1x16xi32>
    %lt3A_173 = arith.constant 8 : i32
    %lt3A_174 = vector.broadcast %lt3A_173 : i32 to vector<1x16xi32>
    %lt3A_175 = arith.cmpi slt, %iota3A_172, %lt3A_174 : vector<1x16xi32>
    %convert_element_type3A_176 = arith.sitofp %iota3A_172 : vector<1x16xi32> to vector<1x16xf32>
    %mul3A_177 = arith.constant 5.120000e+02 : f32
    %mul3A_178 = vector.broadcast %mul3A_177 : f32 to vector<1x16xf32>
    %mul3A_179 = arith.mulf %convert_element_type3A_176, %mul3A_178 : vector<1x16xf32>
    %jit3A = arith.constant 4.096000e+03 : f32
    %broadcast_in_dim3A_180 = vector.broadcast %jit3A : f32 to vector<1x16xf32>
    %select_n3A = arith.select %lt3A_175, %mul3A_179, %broadcast_in_dim3A_180 : vector<1x16xi1>, vector<1x16xf32>
    %eq3A_181 = arith.constant 8 : i32
    %eq3A_182 = vector.broadcast %eq3A_181 : i32 to vector<1x16xi32>
    %eq3A_183 = arith.cmpi eq, %iota3A_172, %eq3A_182 : vector<1x16xi32>
    %broadcast_in_dim3A_184 = vector.shape_cast %add3A_25 : vector<1x1xf32> to vector<1x1xf32>
    %broadcast_in_dim3A_185 = vector.broadcast %broadcast_in_dim3A_184 : vector<1x1xf32> to vector<1x16xf32>
    %select_n3A_186 = arith.select %eq3A_183, %broadcast_in_dim3A_185, %select_n3A : vector<1x16xi1>, vector<1x16xf32>
    %eq3A_187 = arith.constant 9 : i32
    %eq3A_188 = vector.broadcast %eq3A_187 : i32 to vector<1x16xi32>
    %eq3A_189 = arith.cmpi eq, %iota3A_172, %eq3A_188 : vector<1x16xi32>
    %broadcast_in_dim3A_190 = vector.shape_cast %add3A_46 : vector<1x1xf32> to vector<1x1xf32>
    %broadcast_in_dim3A_191 = vector.broadcast %broadcast_in_dim3A_190 : vector<1x1xf32> to vector<1x16xf32>
    %select_n3A_192 = arith.select %eq3A_189, %broadcast_in_dim3A_191, %select_n3A_186 : vector<1x16xi1>, vector<1x16xf32>
    %eq3A_193 = arith.constant 10 : i32
    %eq3A_194 = vector.broadcast %eq3A_193 : i32 to vector<1x16xi32>
    %eq3A_195 = arith.cmpi eq, %iota3A_172, %eq3A_194 : vector<1x16xi32>
    %broadcast_in_dim3A_196 = vector.shape_cast %add3A_67 : vector<1x1xf32> to vector<1x1xf32>
    %broadcast_in_dim3A_197 = vector.broadcast %broadcast_in_dim3A_196 : vector<1x1xf32> to vector<1x16xf32>
    %select_n3A_198 = arith.select %eq3A_195, %broadcast_in_dim3A_197, %select_n3A_192 : vector<1x16xi1>, vector<1x16xf32>
    %eq3A_199 = arith.constant 11 : i32
    %eq3A_200 = vector.broadcast %eq3A_199 : i32 to vector<1x16xi32>
    %eq3A_201 = arith.cmpi eq, %iota3A_172, %eq3A_200 : vector<1x16xi32>
    %broadcast_in_dim3A_202 = vector.shape_cast %add3A_88 : vector<1x1xf32> to vector<1x1xf32>
    %broadcast_in_dim3A_203 = vector.broadcast %broadcast_in_dim3A_202 : vector<1x1xf32> to vector<1x16xf32>
    %select_n3A_204 = arith.select %eq3A_201, %broadcast_in_dim3A_203, %select_n3A_198 : vector<1x16xi1>, vector<1x16xf32>
    %eq3A_205 = arith.constant 12 : i32
    %eq3A_206 = vector.broadcast %eq3A_205 : i32 to vector<1x16xi32>
    %eq3A_207 = arith.cmpi eq, %iota3A_172, %eq3A_206 : vector<1x16xi32>
    %broadcast_in_dim3A_208 = vector.shape_cast %add3A_109 : vector<1x1xf32> to vector<1x1xf32>
    %broadcast_in_dim3A_209 = vector.broadcast %broadcast_in_dim3A_208 : vector<1x1xf32> to vector<1x16xf32>
    %select_n3A_210 = arith.select %eq3A_207, %broadcast_in_dim3A_209, %select_n3A_204 : vector<1x16xi1>, vector<1x16xf32>
    %eq3A_211 = arith.constant 13 : i32
    %eq3A_212 = vector.broadcast %eq3A_211 : i32 to vector<1x16xi32>
    %eq3A_213 = arith.cmpi eq, %iota3A_172, %eq3A_212 : vector<1x16xi32>
    %broadcast_in_dim3A_214 = vector.shape_cast %add3A_130 : vector<1x1xf32> to vector<1x1xf32>
    %broadcast_in_dim3A_215 = vector.broadcast %broadcast_in_dim3A_214 : vector<1x1xf32> to vector<1x16xf32>
    %select_n3A_216 = arith.select %eq3A_213, %broadcast_in_dim3A_215, %select_n3A_210 : vector<1x16xi1>, vector<1x16xf32>
    %eq3A_217 = arith.constant 14 : i32
    %eq3A_218 = vector.broadcast %eq3A_217 : i32 to vector<1x16xi32>
    %eq3A_219 = arith.cmpi eq, %iota3A_172, %eq3A_218 : vector<1x16xi32>
    %broadcast_in_dim3A_220 = vector.shape_cast %add3A_151 : vector<1x1xf32> to vector<1x1xf32>
    %broadcast_in_dim3A_221 = vector.broadcast %broadcast_in_dim3A_220 : vector<1x1xf32> to vector<1x16xf32>
    %select_n3A_222 = arith.select %eq3A_219, %broadcast_in_dim3A_221, %select_n3A_216 : vector<1x16xi1>, vector<1x16xf32>
    %broadcast_in_dim3A_223 = vector.shape_cast %select_n3A_222 : vector<1x16xf32> to vector<1x16xf32>
    %broadcast_in_dim3A_224 = vector.broadcast %broadcast_in_dim3A_223 : vector<1x16xf32> to vector<16x16xf32>
    %iota3A_225 = tpu.iota {dimensions = array<i32: 0>} : vector<16x16xi32>
    %iota3A_226 = tpu.iota {dimensions = array<i32: 1>} : vector<16x16xi32>
    %eq3A_227 = arith.cmpi eq, %iota3A_225, %iota3A_226 : vector<16x16xi32>
    %jit3A_228 = arith.constant 0.000000e+00 : f32
    %broadcast_in_dim3A_229 = vector.broadcast %jit3A_228 : f32 to vector<16x16xf32>
    %select_n3A_230 = arith.select %eq3A_227, %broadcast_in_dim3A_224, %broadcast_in_dim3A_229 : vector<16x16xi1>, vector<16x16xf32>
    %reduce_sum3A = arith.constant dense<0.000000e+00> : vector<16xf32>
    %reduce_sum3A_231 = vector.multi_reduction <add>, %select_n3A_230, %reduce_sum3A [1] : vector<16x16xf32> to vector<16xf32>
    %broadcast_in_dim3A_232 = vector.shape_cast %reduce_sum3A_231 : vector<16xf32> to vector<16x1xf32>
    %lt3A_233 = vector.broadcast %broadcast_in_dim3A_232 : vector<16x1xf32> to vector<16x16xf32>
    %lt3A_234 = arith.cmpf olt, %broadcast_in_dim3A_224, %lt3A_233 : vector<16x16xf32>
    %eq3A_235 = vector.broadcast %broadcast_in_dim3A_232 : vector<16x1xf32> to vector<16x16xf32>
    %eq3A_236 = arith.cmpf oeq, %broadcast_in_dim3A_224, %eq3A_235 : vector<16x16xf32>
    %lt3A_237 = arith.cmpi slt, %iota3A_226, %iota3A_225 : vector<16x16xi32>
    %and3A = arith.andi %eq3A_236, %lt3A_237 : vector<16x16xi1>
    %or3A = arith.ori %lt3A_234, %and3A : vector<16x16xi1>
    %convert_element_type3A_238 = arith.extui %or3A : vector<16x16xi1> to vector<16x16xi32>
    %convert_element_type3A_239 = arith.sitofp %convert_element_type3A_238 : vector<16x16xi32> to vector<16x16xf32>
    %reduce_sum3A_240 = arith.constant dense<0.000000e+00> : vector<16xf32>
    %reduce_sum3A_241 = vector.multi_reduction <add>, %convert_element_type3A_239, %reduce_sum3A_240 [1] : vector<16x16xf32> to vector<16xf32>
    %broadcast_in_dim3A_242 = vector.shape_cast %reduce_sum3A_241 : vector<16xf32> to vector<16x1xf32>
    %convert_element_type3A_243 = arith.sitofp %iota3A_226 : vector<16x16xi32> to vector<16x16xf32>
    %eq3A_244 = vector.broadcast %broadcast_in_dim3A_242 : vector<16x1xf32> to vector<16x16xf32>
    %eq3A_245 = arith.cmpf oeq, %eq3A_244, %convert_element_type3A_243 : vector<16x16xf32>
    %broadcast_in_dim3A_246 = vector.shape_cast %broadcast_in_dim3A_232 : vector<16x1xf32> to vector<16x1xf32>
    %broadcast_in_dim3A_247 = vector.broadcast %broadcast_in_dim3A_246 : vector<16x1xf32> to vector<16x16xf32>
    %jit3A_248 = arith.constant 0.000000e+00 : f32
    %broadcast_in_dim3A_249 = vector.broadcast %jit3A_248 : f32 to vector<16x16xf32>
    %select_n3A_250 = arith.select %eq3A_245, %broadcast_in_dim3A_247, %broadcast_in_dim3A_249 : vector<16x16xi1>, vector<16x16xf32>
    %reduce_sum3A_251 = arith.constant dense<0.000000e+00> : vector<16xf32>
    %reduce_sum3A_252 = vector.multi_reduction <add>, %select_n3A_250, %reduce_sum3A_251 [0] : vector<16x16xf32> to vector<16xf32>
    %broadcast_in_dim3A_253 = vector.shape_cast %reduce_sum3A_252 : vector<16xf32> to vector<1x16xf32>
    %add3A_254 = arith.constant 1 : i32
    %add3A_255 = vector.broadcast %add3A_254 : i32 to vector<16x16xi32>
    %add3A_256 = arith.addi %iota3A_226, %add3A_255 : vector<16x16xi32>
    %eq3A_257 = arith.cmpi eq, %iota3A_225, %add3A_256 : vector<16x16xi32>
    %convert_element_type3A_258 = arith.extui %eq3A_257 : vector<16x16xi1> to vector<16x16xi32>
    %convert_element_type3A_259 = arith.sitofp %convert_element_type3A_258 : vector<16x16xi32> to vector<16x16xf32>
    %dot_general3A_260 = arith.constant dense<0.000000e+00> : vector<1x16xf32>
    %dot_general3A_261 = tpu.matmul %broadcast_in_dim3A_253, %convert_element_type3A_259, %dot_general3A_260 {dimension_numbers = #tpu.dot_dimension_numbers<[1], [0], [0], [1], [0, 0, 1, 1], [], []>, precision = #tpu.contract_precision<fp32>, transpose_lhs_hint = false} : vector<1x16xf32>, vector<16x16xf32>, vector<1x16xf32> -> vector<1x16xf32>
    %eq3A_262 = arith.constant 15 : i32
    %eq3A_263 = vector.broadcast %eq3A_262 : i32 to vector<1x16xi32>
    %eq3A_264 = arith.cmpi eq, %iota3A_172, %eq3A_263 : vector<1x16xi32>
    %jit3A_265 = arith.constant 4.096000e+03 : f32
    %broadcast_in_dim3A_266 = vector.broadcast %jit3A_265 : f32 to vector<1x16xf32>
    %select_n3A_267 = arith.select %eq3A_264, %broadcast_in_dim3A_266, %dot_general3A_261 : vector<1x16xi1>, vector<1x16xf32>
    %convert_element_type3A_268 = arith.fptosi %broadcast_in_dim3A_253 : vector<1x16xf32> to vector<1x16xi32>
    %convert_element_type3A_269 = arith.fptosi %select_n3A_267 : vector<1x16xf32> to vector<1x16xi32>
    %shift_right_logical3A = arith.constant 9 : i32
    %shift_right_logical3A_270 = vector.broadcast %shift_right_logical3A : i32 to vector<1x16xi32>
    %shift_right_logical3A_271 = arith.shrui %convert_element_type3A_268, %shift_right_logical3A_270 : vector<1x16xi32>
    %jit3A_272 = arith.constant 0 : i32
    %jit3A_273 = arith.constant 7 : i32
    %max3A = vector.broadcast %jit3A_272 : i32 to vector<1x16xi32>
    %max3A_274 = arith.maxsi %max3A, %shift_right_logical3A_271 : vector<1x16xi32>
    %min3A = vector.broadcast %jit3A_273 : i32 to vector<1x16xi32>
    %min3A_275 = arith.minsi %min3A, %max3A_274 : vector<1x16xi32>
    %broadcast_in_dim3A_276 = arith.constant 0 : i32
    %broadcast_in_dim3A_277 = vector.broadcast %broadcast_in_dim3A_276 : i32 to vector<1x16xi32>
    %le3A_278 = vector.broadcast %add3A_25 : vector<1x1xf32> to vector<1x16xf32>
    %le3A_279 = arith.cmpf ole, %le3A_278, %broadcast_in_dim3A_253 : vector<1x16xf32>
    %convert_element_type3A_280 = arith.extui %le3A_279 : vector<1x16xi1> to vector<1x16xi32>
    %add3A_281 = arith.addi %broadcast_in_dim3A_277, %convert_element_type3A_280 : vector<1x16xi32>
    %le3A_282 = vector.broadcast %add3A_46 : vector<1x1xf32> to vector<1x16xf32>
    %le3A_283 = arith.cmpf ole, %le3A_282, %broadcast_in_dim3A_253 : vector<1x16xf32>
    %convert_element_type3A_284 = arith.extui %le3A_283 : vector<1x16xi1> to vector<1x16xi32>
    %add3A_285 = arith.addi %add3A_281, %convert_element_type3A_284 : vector<1x16xi32>
    %le3A_286 = vector.broadcast %add3A_67 : vector<1x1xf32> to vector<1x16xf32>
    %le3A_287 = arith.cmpf ole, %le3A_286, %broadcast_in_dim3A_253 : vector<1x16xf32>
    %convert_element_type3A_288 = arith.extui %le3A_287 : vector<1x16xi1> to vector<1x16xi32>
    %add3A_289 = arith.addi %add3A_285, %convert_element_type3A_288 : vector<1x16xi32>
    %le3A_290 = vector.broadcast %add3A_88 : vector<1x1xf32> to vector<1x16xf32>
    %le3A_291 = arith.cmpf ole, %le3A_290, %broadcast_in_dim3A_253 : vector<1x16xf32>
    %convert_element_type3A_292 = arith.extui %le3A_291 : vector<1x16xi1> to vector<1x16xi32>
    %add3A_293 = arith.addi %add3A_289, %convert_element_type3A_292 : vector<1x16xi32>
    %le3A_294 = vector.broadcast %add3A_109 : vector<1x1xf32> to vector<1x16xf32>
    %le3A_295 = arith.cmpf ole, %le3A_294, %broadcast_in_dim3A_253 : vector<1x16xf32>
    %convert_element_type3A_296 = arith.extui %le3A_295 : vector<1x16xi1> to vector<1x16xi32>
    %add3A_297 = arith.addi %add3A_293, %convert_element_type3A_296 : vector<1x16xi32>
    %le3A_298 = vector.broadcast %add3A_130 : vector<1x1xf32> to vector<1x16xf32>
    %le3A_299 = arith.cmpf ole, %le3A_298, %broadcast_in_dim3A_253 : vector<1x16xf32>
    %convert_element_type3A_300 = arith.extui %le3A_299 : vector<1x16xi1> to vector<1x16xi32>
    %add3A_301 = arith.addi %add3A_297, %convert_element_type3A_300 : vector<1x16xi32>
    %le3A_302 = vector.broadcast %add3A_151 : vector<1x1xf32> to vector<1x16xf32>
    %le3A_303 = arith.cmpf ole, %le3A_302, %broadcast_in_dim3A_253 : vector<1x16xf32>
    %convert_element_type3A_304 = arith.extui %le3A_303 : vector<1x16xi1> to vector<1x16xi32>
    %add3A_305 = arith.addi %add3A_301, %convert_element_type3A_304 : vector<1x16xi32>
    %jit3A_306 = arith.constant 0 : i32
    %jit3A_307 = arith.constant 7 : i32
    %max3A_308 = vector.broadcast %jit3A_306 : i32 to vector<1x16xi32>
    %max3A_309 = arith.maxsi %max3A_308, %add3A_305 : vector<1x16xi32>
    %min3A_310 = vector.broadcast %jit3A_307 : i32 to vector<1x16xi32>
    %min3A_311 = arith.minsi %min3A_310, %max3A_309 : vector<1x16xi32>
    %mul3A_312 = arith.constant 512 : i32
    %mul3A_313 = vector.broadcast %mul3A_312 : i32 to vector<1x16xi32>
    %mul3A_314 = arith.muli %min3A_275, %mul3A_313 : vector<1x16xi32>
    %swap3A_315 = arith.constant 0 : index
    %swap3A_316 = arith.constant 0 : index
    %swap3A_317 = vector.load %arg2[%swap3A_315, %swap3A_316] : memref<4x16xi32, #tpu.memory_space<vmem>>, vector<1x16xi32>
    tpu.vector_store %arg2[%swap3A_315, %swap3A_316], %min3A_275 {strides = array<i32>} : memref<4x16xi32, #tpu.memory_space<vmem>>, vector<1x16xi32>,
    %swap3A_318 = arith.constant 1 : index
    %swap3A_319 = arith.constant 0 : index
    %swap3A_320 = vector.load %arg2[%swap3A_318, %swap3A_319] : memref<4x16xi32, #tpu.memory_space<vmem>>, vector<1x16xi32>
    tpu.vector_store %arg2[%swap3A_318, %swap3A_319], %min3A_311 {strides = array<i32>} : memref<4x16xi32, #tpu.memory_space<vmem>>, vector<1x16xi32>,
    %sub3A_321 = arith.subi %convert_element_type3A_268, %mul3A_314 : vector<1x16xi32>
    %swap3A_322 = arith.constant 2 : index
    %swap3A_323 = arith.constant 0 : index
    %swap3A_324 = vector.load %arg2[%swap3A_322, %swap3A_323] : memref<4x16xi32, #tpu.memory_space<vmem>>, vector<1x16xi32>
    tpu.vector_store %arg2[%swap3A_322, %swap3A_323], %sub3A_321 {strides = array<i32>} : memref<4x16xi32, #tpu.memory_space<vmem>>, vector<1x16xi32>,
    %sub3A_325 = arith.subi %convert_element_type3A_269, %mul3A_314 : vector<1x16xi32>
    %swap3A_326 = arith.constant 3 : index
    %swap3A_327 = arith.constant 0 : index
    %swap3A_328 = vector.load %arg2[%swap3A_326, %swap3A_327] : memref<4x16xi32, #tpu.memory_space<vmem>>, vector<1x16xi32>
    tpu.vector_store %arg2[%swap3A_326, %swap3A_327], %sub3A_325 {strides = array<i32>} : memref<4x16xi32, #tpu.memory_space<vmem>>, vector<1x16xi32>,
    return
  }
}

module attributes {stable_mosaic.version = 14 : i64} {
  func.func @_mm_body(%arg0: i32, %arg1: memref<4x16xi32, #tpu.memory_space<smem>>, %arg2: memref<512x1024xf32, #tpu.memory_space<vmem>>, %arg3: memref<1x1024x1024xf32, #tpu.memory_space<vmem>>, %arg4: memref<512x1024xf32, #tpu.memory_space<vmem>>) attributes {dimension_semantics = [#tpu.dimension_semantics<arbitrary>], iteration_bounds = array<i64: 16>, scalar_prefetch = 1 : i64, scratch_operands = 0 : i64, tpu.core_type = #tpu.core_type<tc>, window_params = [{transform_indices = @transform_0, window_bounds = array<i64: 512, 1024>}, {transform_indices = @transform_1, window_bounds = array<i64: 1, 1024, 1024>}, {transform_indices = @transform_2, window_bounds = array<i64: 512, 1024>}]} {
    %get3A = arith.constant 2 : index
    %get3A_0 = arith.index_cast %arg0 : i32 to index
    %get3A_1 = memref.load %arg1[%get3A, %get3A_0] : memref<4x16xi32, #tpu.memory_space<smem>>
    %get3A_2 = arith.constant 3 : index
    %get3A_3 = arith.index_cast %arg0 : i32 to index
    %get3A_4 = memref.load %arg1[%get3A_2, %get3A_3] : memref<4x16xi32, #tpu.memory_space<smem>>
    %gt3A = arith.cmpi sgt, %get3A_4, %get3A_1 : i32
    %convert_element_type3A = arith.extui %gt3A : i1 to i32
    %cond3A = arith.constant 0 : i32
    %cond3A_5 = arith.cmpi ne, %convert_element_type3A, %cond3A : i32
    scf.if %cond3A_5 {
      %get3A_6 = arith.constant 0 : index
      %get3A_7 = arith.constant 0 : index
      %get3A_8 = vector.load %arg2[%get3A_6, %get3A_7] : memref<512x1024xf32, #tpu.memory_space<vmem>>, vector<512x1024xf32>
      %get3A_9 = arith.constant 0 : index
      %get3A_10 = arith.constant 0 : index
      %get3A_11 = arith.constant 0 : index
      %get3A_12 = vector.load %arg3[%get3A_9, %get3A_10, %get3A_11] : memref<1x1024x1024xf32, #tpu.memory_space<vmem>>, vector<1x1024x1024xf32>
      %get3A_13 = vector.shape_cast %get3A_12 : vector<1x1024x1024xf32> to vector<1024x1024xf32>
      %dot_general3A = arith.constant dense<0.000000e+00> : vector<512x1024xf32>
      %dot_general3A_14 = tpu.matmul %get3A_8, %get3A_13, %dot_general3A {dimension_numbers = #tpu.dot_dimension_numbers<[1], [1], [0], [0], [0, 0, 1, 0], [], []>, transpose_lhs_hint = false} : vector<512x1024xf32>, vector<1024x1024xf32>, vector<512x1024xf32> -> vector<512x1024xf32>
      %iota3A = tpu.iota {dimensions = array<i32: 0>} : vector<512x1xi32>
      %ge3A = vector.broadcast %get3A_1 : i32 to vector<512x1xi32>
      %ge3A_15 = arith.cmpi sge, %iota3A, %ge3A : vector<512x1xi32>
      %lt3A = vector.broadcast %get3A_4 : i32 to vector<512x1xi32>
      %lt3A_16 = arith.cmpi slt, %iota3A, %lt3A : vector<512x1xi32>
      %and3A = arith.andi %ge3A_15, %lt3A_16 : vector<512x1xi1>
      %get3A_17 = arith.constant 0 : index
      %get3A_18 = arith.constant 0 : index
      %get3A_19 = vector.load %arg4[%get3A_17, %get3A_18] : memref<512x1024xf32, #tpu.memory_space<vmem>>, vector<512x1024xf32>
      %broadcast_in_dim3A = vector.shape_cast %and3A : vector<512x1xi1> to vector<512x1xi1>
      %broadcast_in_dim3A_20 = vector.broadcast %broadcast_in_dim3A : vector<512x1xi1> to vector<512x1024xi1>
      %select_n3A = arith.select %broadcast_in_dim3A_20, %dot_general3A_14, %get3A_19 : vector<512x1024xi1>, vector<512x1024xf32>
      %swap3A = arith.constant 0 : index
      %swap3A_21 = arith.constant 0 : index
      %swap3A_22 = vector.load %arg4[%swap3A, %swap3A_21] : memref<512x1024xf32, #tpu.memory_space<vmem>>, vector<512x1024xf32>
      tpu.vector_store %arg4[%swap3A, %swap3A_21], %select_n3A {strides = array<i32>} : memref<512x1024xf32, #tpu.memory_space<vmem>>, vector<512x1024xf32>,
    } else {
    }
    return
  }
  func.func @transform_0(%arg0: i32, %arg1: memref<4x16xi32, #tpu.memory_space<smem>>) -> (i32, i32) {
    %get3A = arith.constant 0 : index
    %get3A_0 = arith.index_cast %arg0 : i32 to index
    %get3A_1 = memref.load %arg1[%get3A, %get3A_0] : memref<4x16xi32, #tpu.memory_space<smem>>
    %c0_i32 = arith.constant 0 : i32
    %c0_i32_2 = arith.constant 0 : i32
    return %get3A_1, %c0_i32 : i32, i32
  }
  func.func @transform_1(%arg0: i32, %arg1: memref<4x16xi32, #tpu.memory_space<smem>>) -> (i32, i32, i32) {
    %get3A = arith.constant 1 : index
    %get3A_0 = arith.index_cast %arg0 : i32 to index
    %get3A_1 = memref.load %arg1[%get3A, %get3A_0] : memref<4x16xi32, #tpu.memory_space<smem>>
    %c0_i32 = arith.constant 0 : i32
    %c0_i32_2 = arith.constant 0 : i32
    %c0_i32_3 = arith.constant 0 : i32
    return %get3A_1, %c0_i32, %c0_i32_2 : i32, i32, i32
  }
  func.func @transform_2(%arg0: i32, %arg1: memref<4x16xi32, #tpu.memory_space<smem>>) -> (i32, i32) {
    %get3A = arith.constant 0 : index
    %get3A_0 = arith.index_cast %arg0 : i32 to index
    %get3A_1 = memref.load %arg1[%get3A, %get3A_0] : memref<4x16xi32, #tpu.memory_space<smem>>
    %c0_i32 = arith.constant 0 : i32
    %c0_i32_2 = arith.constant 0 : i32
    return %get3A_1, %c0_i32 : i32, i32
  }
}

</mosaic_0001>

<sc_bundles>
// kernel: kernel.6.cloned.1.call-start
scs
__scs_entry_jumppad:
0x0: {  	(pc) =	sbr.rel $0x88, $3  }
0x1: {  	(tag) =	ssettag $0x0;
	lr =	simm.s32 $0x1  }
0x2: {  	[smem:$0x3F9E] =	sst lr;
	_ =	strace $0xD0000000  }
0x3: {  	_ = 	snop  }
0x4: {  	_ = 	snop  }
0x5: {  	_ = 	snop  }
0x6: {  	_ = 	snop  }
0x7: {  	_ = 	snop  }
__scs_overlays_trampoline_lowered:
0x8: {  	[smem:$0x3FAD] =	sst s0  }
0x9: {  	[smem:$0x3FAE] =	sst s1  }
0xa: {  	[smem:$0x3FAF] =	sst s2  }
0xb: {  	[smem:$0x3FB0] =	sst s3  }
0xc: {  	[smem:$0x3FB1] =	sst s4  }
0xd: {  	[smem:$0x3FB2] =	sst s5  }
0xe: {  	[smem:$0x3FB3] =	sst s6  }
0xf: {  	[smem:$0x3FB4] =	sst s7  }
0x10: {  	[smem:$0x3FB5] =	sst s8  }
0x11: {  	[smem:$0x3FB6] =	sst s9;
	s0 =	simm.s32 @!p0 $0x0  }
0x12: {  	s1 =	sld [smem:$0x3F9C];
	s0 =	simm.s32 @p0 $0x1  }
0x13: {  	[smem:$0x3FB7] =	sst s0;
	s0 =	simm.s32 @!p1 $0x0  }
0x14: {  	s2 =	sld [smem:$0x3F9B];
	s0 =	simm.s32 @p1 $0x1  }
0x15: {  	[smem:$0x3FB8] =	sst s0;
	s0 =	simm.s32 @!p2 $0x0  }
0x16: {  	s3 =	sld [smem:$0x3FDB];
	s0 =	simm.s32 @p2 $0x1  }
0x17: {  	s4 =	simm.s32 $0x1BF5;
	[smem:$0x3FBA] =	sst s0  }
0x18: {  	s0 =	sld [smem:$0x3F9D];
	_ =	swait.ge [sflag:s4], $0x0  }
0x19: {  	s7 =	sld [smem:$0x3F9E]  }
0x1a: {  	s8 =	sadd.s32 $0xFFFFE003, lr  }
0x1b: {  	s9 =	sadd.s32 $0xFFFFFEF7, lr;
	s5 =	simm.s32 $0xFFFFFFFF;
	p2 =	slt.u32 s8, $0xFFFFF086  }
0x1c: {  	p1 =	slt.u32 s9, $0xF7A;
	s5 =	simm.s32 @!p2 $0x0  }
0x1d: {  	s5 =	simm.s32 @p1 $0x1;
	p0 =	seq.s32 s7, s2  }
0x1e: {  	s7 =	smul.u32 @!p0 $0xF7A, s2;
	p2 =	seq.s32 @!p0 s5, $0x0  }
0x1f: {  	s9 =	smul.u32 $0xF7A, s1;
	s8 =	simm.s32 @!p0 $0x1BF5;
	p2 =	por !p2, p0  }
0x20: {  	[sflag:s8] =	ssyncset.s32 @!p0 $0xFFFFF086;
	s6 =	sadd.s32 @!p0 s3, s7;
	s7 =	simm.s32 @!p0 $0x108  }
0x21: {  	s3 =	sadd.s32 s3, s9;
	s6 =	sadd.s32 @!p0 $0x88, s6;
	s7 =	simm.s32 @p2 $0x1082  }
0x22: {  	[simem:s7], [sflag:s8] =	dma.local @!p0 [hbm:s6], $0xF7A  }
0x23: {  	s9 =	sor.u32 $0xD0000000, s2;
	s6 =	simm.s32 $0x108;
	_ =	swait.ge @!p0 [sflag:s8], $0x0  }
0x24: {  	s3 =	sadd.s32 $0x88, s3;
	s6 =	simm.s32 @!p1 $0x1082;
	[sflag:s4] =	ssyncset.s32 $0xFFFFF086  }
0x25: {  	[simem:s6], [sflag:s4] =	dma.local [hbm:s3], $0xF7A  }
0x26: {  	[smem:$0x3F9E] =	sst s1;
	(tag) =	ssettag s2;
	_ =	strace s9  }
0x27: {  	s1 =	sld [smem:$0x3FAE]  }
0x28: {  	s2 =	sld [smem:$0x3FAF]  }
0x29: {  	s4 =	sld [smem:$0x3FB1]  }
0x2a: {  	p0 =	seq.s32 s5, $0x0;
	s5 =	sld [smem:$0x3FB2]  }
0x2b: {  	s6 =	sld [smem:$0x3FB3]  }
0x2c: {  	s7 =	sld [smem:$0x3FB4]  }
0x2d: {  	s3 =	simm.s32 $0x108;
	s8 =	sld [smem:$0x3FB5]  }
0x2e: {  	s3 =	simm.s32 @!p0 $0x1082;
	s9 =	sld [smem:$0x3FB6]  }
0x2f: {  	lr =	sadd.s32 s0, s3;
	s0 =	sld [smem:$0x3FAD]  }
0x30: {  	s3 =	sld [smem:$0x3FB0]  }
0x31: {  	[smem:$0x3FB9] =	sst s10  }
0x32: {  	s10 =	sld [smem:$0x3FB7];
	_ =	sdelay $0x3  }
0x33: {  	p0 =	seq.s32 s10, $0x1;
	s10 =	sld [smem:$0x3FB9];
	_ =	sdelay $0x3  }
0x34: {  	[smem:$0x3FB9] =	sst s10  }
0x35: {  	s10 =	sld [smem:$0x3FB8];
	_ =	sdelay $0x3  }
0x36: {  	p1 =	seq.s32 s10, $0x1;
	s10 =	sld [smem:$0x3FB9];
	_ =	sdelay $0x3  }
0x37: {  	[smem:$0x3FB9] =	sst s10  }
0x38: {  	s10 =	sld [smem:$0x3FBA]  }
0x39: {  	_ = 	snop;
	(pc) =	sbr.ind lr, $3  }
0x3a: {  	_ = 	snop  }
0x3b: {  	_ = 	snop  }
0x3c: {  	p2 =	seq.s32 s10, $0x1;
	s10 =	sld [smem:$0x3FB9]  }
0x3d: {  	_ =	shalt  }
0x3e: {  	_ =	shalt  }
0x3f: {  	_ =	shalt  }
0x40: {  	_ =	shalt  }
0x41: {  	_ =	shalt  }
0x42: {  	_ =	shalt  }
0x43: {  	_ =	shalt  }
0x44: {  	_ =	shalt  }
0x45: {  	_ =	shalt  }
0x46: {  	_ =	shalt  }
0x47: {  	_ =	shalt  }
0x48: {  	_ =	shalt  }
0x49: {  	_ =	shalt  }
0x4a: {  	_ =	shalt  }
0x4b: {  	_ =	shalt  }
0x4c: {  	_ =	shalt  }
0x4d: {  	_ =	shalt  }
0x4e: {  	_ =	shalt  }
0x4f: {  	_ =	shalt  }
0x50: {  	_ =	shalt  }
0x51: {  	_ =	shalt  }
0x52: {  	_ =	shalt  }
0x53: {  	_ =	shalt  }
0x54: {  	_ =	shalt  }
0x55: {  	_ =	shalt  }
0x56: {  	_ =	shalt  }
0x57: {  	_ =	shalt  }
0x58: {  	_ =	shalt  }
0x59: {  	_ =	shalt  }
0x5a: {  	_ =	shalt  }
0x5b: {  	_ =	shalt  }
0x5c: {  	_ =	shalt  }
0x5d: {  	_ =	shalt  }
0x5e: {  	_ =	shalt  }
0x5f: {  	_ =	shalt  }
0x60: {  	_ =	shalt  }
0x61: {  	_ =	shalt  }
0x62: {  	_ =	shalt  }
0x63: {  	_ =	shalt  }
0x64: {  	_ =	shalt  }
0x65: {  	_ =	shalt  }
0x66: {  	_ =	shalt  }
0x67: {  	_ =	shalt  }
0x68: {  	_ =	shalt  }
0x69: {  	_ =	shalt  }
0x6a: {  	_ =	shalt  }
0x6b: {  	_ =	shalt  }
0x6c: {  	_ =	shalt  }
0x6d: {  	_ =	shalt  }
0x6e: {  	_ =	shalt  }
0x6f: {  	_ =	shalt  }
0x70: {  	_ =	shalt  }
0x71: {  	_ =	shalt  }
0x72: {  	_ =	shalt  }
0x73: {  	_ =	shalt  }
0x74: {  	_ =	shalt  }
0x75: {  	_ =	shalt  }
0x76: {  	_ =	shalt  }
0x77: {  	_ =	shalt  }
0x78: {  	_ =	shalt  }
0x79: {  	_ =	shalt  }
0x7a: {  	_ =	shalt  }
0x7b: {  	_ =	shalt  }
0x7c: {  	_ =	shalt  }
0x7d: {  	_ =	shalt  }
0x7e: {  	_ =	shalt  }
0x7f: {  	_ =	shalt  }
0x80: {  	_ =	shalt  }
0x81: {  	_ =	shalt  }
0x82: {  	_ =	shalt  }
0x83: {  	_ =	shalt  }
0x84: {  	_ =	shalt  }
0x85: {  	_ =	shalt  }
0x86: {  	_ =	shalt  }
0x87: {  	_ =	shalt  }
.Lfunc_end0:
.L_simem_size_0:
called_computation_lowered:
.L_overlay_start_0:
0x88: {  	s2 =	sld [smem:$0x3FD9]  }
0x89: {  	s3 =	sld [smem:$0x3FFE];
	_ =	sdelay $0x1  }
0x8a: {  	s1 =	srdreg.scid  }
0x8b: {  	s0 =	sand.u32 $0x1, s1  }
0x8c: {  	s17 =	sshll.u32 s0, $0xA;
	s2 =	sadd.s32 s3, s2  }
0x8d: {  	s2 =	sadd.s32 s2, s17  }
0x8e: {  	[smem:$0x3FC5] =	sst s2  }
0x8f: {  	_ = 	snop  }
0x90: {  	s2 =	sld [smem:$0x3FC9]  }
0x91: {  	s18 =	sld [smem:$0x3FD0];
	(tm) =	ssettm $0x1  }
0x92: {  	s4 =	sld [smem:$0x3FFB];
	_ =	sdelay $0x3  }
0x93: {  	_ =	strace s4  }
0x94: {  	s4 =	sld [smem:$0x3FFC];
	_ =	sdelay $0x3  }
0x95: {  	_ =	strace s4  }
0x96: {  	s4 =	sld [smem:$0x3FFD];
	_ =	sdelay $0x3  }
0x97: {  	_ =	strace s4  }
0x98: {  	_ =	strace $0x8FFFFFFF  }
0x99: {  	s19 =	sld [smem:$0x3FDB];
	_ =	sdelay $0x1  }
0x9a: {  	s5 =	simm.s32 $_scs_section_size  }
0x9b: {  	s6 =	simm.s32 $_size__tile_overlayer_lowered;
	s7 =	simm.s32 $_tile_overlayer_lowered  }
0x9c: {  	s22 =	simm.s32 $0x1BFF;
	s21 =	sshll.u32 s7, $0x1;
	s4 =	sadd.s32 s5, s19  }
0x9d: {  	s8 =	simm.s32 $0x0;
	s20 =	sshll.u32 s6, $0x1;
	s6 =	sadd.s32 s21, s4  }
0x9e: {  	[timem:s8], [sflag:s22] =	dma.local [hbm:s6], s20  }
0x9f: {  	_ =	swait.ge [sflag:s22], s20  }
0xa0: {  	s5 =	ssub.s32 $0x0, s20;
	[sflag:s22] =	ssyncset.done $0x0  }
0xa1: {  	[sflag:s22] =	ssyncadd.s32 s5;
	_ =	sdelay $0x1  }
0xa2: {  	s23 =	simm.s32 $0x1B8B  }
0xa3: {  	_ =	swait.ge [sflag:s23], $0x1  }
0xa4: {  	[sflag:s23] =	ssyncset.done $0x0  }
0xa5: {  	s25 =	simm.s32 $0x1B8E;
	s24 =	sld [smem:$0x3FFE];
	[sflag:s23] =	ssyncadd.s32 $0xFFFFFFFF  }
0xa6: {  	s26 =	simm.s32 $execute0_lowered;
	[smem:$0x3FD2] =	sst s25  }
0xa7: {  	s6 =	sshll.u32 s26, $0x1;
	_ =	strace $0x80000046;
	[dreg:$0x1] =	wrdreg $0xFFFFFFFF  }
0xa8: {  	s28 =	simm.s32 $_size_execute0_lowered;
	s4 =	sadd.s32 s4, s6;
	[dreg:$0x0] =	wrdreg $0x0  }
0xa9: {  	s6 =	sshll.u32 s28, $0x1;
	[dreg:$0x2] =	wrdreg s4  }
0xaa: {  	[dreg:$0x3] =	wrdreg s6  }
0xab: {  	[dreg:$0x4] =	wrdreg $0xC0  }
0xac: {  	_ =	task [dreg:s8], $0x5FFFF  }
0xad: {  	[dreg:$0x1] =	wrdreg $0xFFFFFFFF  }
0xae: {  	[dreg:$0x0] =	wrdreg $0x60  }
0xaf: {  	[dreg:$0x2] =	wrdreg s2  }
0xb0: {  	[dreg:$0x3] =	wrdreg s24  }
0xb1: {  	[dreg:$0x4] =	wrdreg s18  }
0xb2: {  	[dreg:$0x5] =	wrdreg $0x9  }
0xb3: {  	_ =	task.clear_ibuf [dreg:s8], $0x6FFFF;
	_ =	strace $0x90000046  }
0xb4: {  	s29 =	simm.s32 $0x9;
	_ =	strace $0x80000048  }
0xb5: {  	_ =	swait.ge [sflag:s29], $0x1  }
0xb6: {  	[sflag:s29] =	ssyncadd.s32 $0xFFFFFFFF  }
0xb7: {  	_ =	strace $0x90000048  }
0xb8: {  	_ =	sfence  }
0xb9: {  	s30 =	sld [smem:$0x0];
	_ =	sdelay $0x2  }
0xba: {  	s31 =	sshll.u32 s1, $0xD;
	s1 =	sshrl.u32 s1, $0x2  }
0xbb: {  	s3 =	sand.u32 $0x4000, s31;
	s1 =	sadd.s32 s1, s30  }
0xbc: {  	s0 =	sor.u32 s3, s0;
	s1 =	sshll.u32 s1, $0x11  }
0xbd: {  	s0 =	sor.u32 s1, s0  }
0xbe: {  	s0 =	sadd.s32 $0x8F2B, s0  }
0xbf: {  	[sflag:s0] =	ssyncadd.remote.s32 $0x1  }
0xc0: {  	_ =	sfence.sel $0xFFFF  }
0xc1: {  	[dreg:$0x0] =	wrdreg $0xFFFFFFFF;
	(pc) =	sbr.abs _section_cstart, $3  }
0xc2: {  	[dreg:$0x1] =	wrdreg $0xFFFFFFFF  }
0xc3: {  	_ =	task.clear_ibuf [dreg:s8], $0x2FFFF;
	_ =	strace $0x9FFFFFFF  }
0xc4: {  	(tm) =	ssettm $0x7FFFFFFF  }
0xc5: {  	_ =	shalt  }
tec
execute0_lowered:
.L_overlay_start_1:
0x0: {  	(tag) =	ssettag $0x1  }
0x1: {  	s0 =	rddreg [dreg:$0x0]  }
0x2: {  	s2 =	rddreg [dreg:$0x1];
	s3 =	srdreg.scid  }
0x3: {  	s1 =	rddreg [dreg:$0x2];
	s6 =	stileid.u32;
	s12 =	simm.s32 $0x8200  }
0x4: {  	s29 =	simm.s32 $0x1;
	s28 =	simm.s32 $0x1200;
	s31 =	simm.s32 $0x1A00  }
0x5: {  	s30 =	simm.s32 $0x3;
	s9 =	simm.s32 $0x9A00;
	s10 =	simm.s32 $0xA200  }
0x6: {  	s13 =	simm.s32 $0xBA00;
	s14 =	simm.s32 $0xC200;
	s15 =	simm.s32 $0xCA00  }
0x7: {  	s16 =	simm.s32 $0xD200;
	s17 =	simm.s32 $0xDA00;
	s18 =	simm.s32 $0xE200  }
0x8: {  	s19 =	simm.s32 $0xEA00;
	s20 =	simm.s32 $0xF200;
	s4 =	sand.u32 $0x1, s3  }
0x9: {  	s3 =	simm.s32 $0x0;
	s21 =	sshll.u32 s6, $0x7;
	s6 =	sshll.u32 s6, $0xF  }
0xa: {  	s5 =	sshll.u32 s4, $0x6;
	[smem:$0x7FF] =	sst s3;
	s7 =	sshll.u32 s4, $0xE  }
0xb: {  	s4 =	ssub.s32 $0x2, s4;
	s2 =	sadd.s32 s5, s2;
	_ =	strace $0x80000047  }
0xc: {  	s22 =	sor.u32 s7, s6;
	s23 =	sshrl.u32 s4, $0x1;
	s5 =	sadd.s32 $0x100, s1  }
0xd: {  	s6 =	sadd.s32 $0x200, s1;
	s7 =	sadd.s32 $0x300, s1;
	s2 =	sadd.s32 s21, s2  }
0xe: {  	s8 =	sadd.s32 s0, s22;
	s0 =	ssub.s32 s4, s23;
	s22 =	simm.s32 $0x8A00  }
0xf: {  	s23 =	simm.s32 $0x9200;
	s2 =	sadd.s32 $0xE00, s2;
	[dreg:$0x8] =	wrdreg s8  }
0x10: {  	s4 =	simm.s32 $0xB200;
	s24 =	sadd.s32 $0x1000, s8;
	[dreg:$0x4] =	wrdreg s2  }
0x11: {  	v2 =	vlaneseq.u32;
	s21 =	simm.s32 $0xFA00;
	s25 =	sadd.s32 $0x2000, s8;
	[dreg:$0x5] =	wrdreg s24  }
0x12: {  	vm0 =	vmmov $0xffff;
	v1 =	vshrl.u32 v2, $0x3;
	s26 =	sadd.s32 $0x3000, s8;
	s8 =	smax.u32 s0, $0x1;
	[dreg:$0x6] =	wrdreg s25  }
0x13: {  	v0 =	vand.u32 $0x7, v2;
	v2 =	vor.u32 $0x8, v2;
	v1 =	vmul.u32 $0x8, v1;
	[dreg:$0x7] =	wrdreg s26;
	s24 =	simm.s32 $0x4;
	s2 =	simm.s32 $0xAA00  }
.LBB2_1:
0x14: {  	s25 =	rddreg [dreg:$0x4];
	s0 =	simm.s32 $0x5  }
0x15: {  	[tilespmem:s3], [sflag:$0x5] =	stream.linear.gather [hbm4b:s25+s3], $0x200, $0x38;
	[tilespmem:$0x10200] =	vst v63  }
0x16: {  	_ =	swait.ge [sflag:s0], $0x200  }
0x17: {  	[sflag:s0] =	ssyncset.done $0x0  }
0x18: {  	s11 =	simm.s32 $0x200;
	s26 =	rddreg [dreg:$0x8];
	[sflag:s0] =	ssyncadd.s32 $0xFFFFFE00  }
0x19: {  	[tilespmem:s11], [sflag:$0x1] =	stream.linear.gather [hbm4b:s26+s3], $0x8000, $0x38;
	[tilespmem:$0x10200] =	vst v63  }
0x1a: {  	s0 =	rddreg [dreg:$0x5]  }
0x1b: {  	[tilespmem:s12], [sflag:$0x2] =	stream.linear.gather [hbm4b:s0+s3], $0x8000, $0x38;
	[tilespmem:$0x10200] =	vst v63  }
0x1c: {  	_ =	swait.ge [sflag:s29], $0x8000  }
0x1d: {  	[sflag:s29] =	ssyncset.done $0x0  }
0x1e: {  	[sflag:s29] =	ssyncadd.s32 $0xFFFF8000  }
0x1f: {  	v3 =	vld [tilespmem:$0x0];
	_ =	sdelay $0x4  }
0x20: {  	v4 =	vshll.u32 v3, $0x3  }
0x21: {  	v3 =	vand.u32 $0x7, v3;
	v4 =	vand.u32 $0xFFFFFFC0, v4  }
0x22: {  	v3 =	vor.u32 v3, v4  }
0x23: {  	v4 =	vperm.xlane v3, v0;
	_ =	sdelay $0x1  }
0x24: {  	v4 =	vadd.s32 v1, v4;
	_ =	sdelay $0x4  }
0x25: {  	[hbm4b:s1+s3] =	stream.indirect_vreg.scatter [tilespmem:s11], [sflag:$0x3], $0x80, v4, vm0, $0xb8;
	[tilespmem:$0x10200] =	vst v63  }
0x26: {  	s26 =	simm.s32 $0xA00;
	v3 =	vperm.xlane v3, v2  }
0x27: {  	[hbm4b:s5+s3] =	stream.indirect_vreg.scatter [tilespmem:s26], [sflag:$0x3], $0x80, v4, vm0, $0xb8;
	[tilespmem:$0x10200] =	vst v63  }
0x28: {  	v3 =	vadd.s32 v1, v3  }
0x29: {  	[hbm4b:s6+s3] =	stream.indirect_vreg.scatter [tilespmem:s28], [sflag:$0x3], $0x80, v4, vm0, $0xb8;
	[tilespmem:$0x10200] =	vst v63  }
0x2a: {  	_ = 	snop  }
0x2b: {  	[hbm4b:s7+s3] =	stream.indirect_vreg.scatter [tilespmem:s31], [sflag:$0x3], $0x80, v4, vm0, $0xb8;
	[tilespmem:$0x10200] =	vst v63  }
0x2c: {  	s25 =	simm.s32 $0x2200  }
0x2d: {  	[hbm4b:s1+s3] =	stream.indirect_vreg.scatter [tilespmem:s25], [sflag:$0x3], $0x80, v3, vm0, $0xb8;
	[tilespmem:$0x10200] =	vst v63  }
0x2e: {  	s25 =	simm.s32 $0x2A00  }
0x2f: {  	[hbm4b:s5+s3] =	stream.indirect_vreg.scatter [tilespmem:s25], [sflag:$0x3], $0x80, v3, vm0, $0xb8;
	[tilespmem:$0x10200] =	vst v63  }
0x30: {  	s25 =	simm.s32 $0x3200  }
0x31: {  	[hbm4b:s6+s3] =	stream.indirect_vreg.scatter [tilespmem:s25], [sflag:$0x3], $0x80, v3, vm0, $0xb8;
	[tilespmem:$0x10200] =	vst v63  }
0x32: {  	s25 =	simm.s32 $0x3A00  }
0x33: {  	[hbm4b:s7+s3] =	stream.indirect_vreg.scatter [tilespmem:s25], [sflag:$0x3], $0x80, v3, vm0, $0xb8;
	[tilespmem:$0x10200] =	vst v63  }
0x34: {  	v3 =	vld [tilespmem:$0x10];
	_ =	sdelay $0x4  }
0x35: {  	v57 =	vshll.u32 v3, $0x3  }
0x36: {  	v3 =	vand.u32 $0x7, v3;
	v4 =	vand.u32 $0xFFFFFFC0, v57  }
0x37: {  	v3 =	vor.u32 v3, v4  }
0x38: {  	v4 =	vperm.xlane v3, v0;
	_ =	sdelay $0x1  }
0x39: {  	v4 =	vadd.s32 v1, v4;
	_ =	sdelay $0x3  }
0x3a: {  	s25 =	simm.s32 $0x4200  }
0x3b: {  	[hbm4b:s1+s3] =	stream.indirect_vreg.scatter [tilespmem:s25], [sflag:$0x3], $0x80, v4, vm0, $0xb8;
	[tilespmem:$0x10200] =	vst v63  }
0x3c: {  	v3 =	vperm.xlane v3, v2;
	s25 =	simm.s32 $0x4A00  }
0x3d: {  	[hbm4b:s5+s3] =	stream.indirect_vreg.scatter [tilespmem:s25], [sflag:$0x3], $0x80, v4, vm0, $0xb8;
	[tilespmem:$0x10200] =	vst v63  }
0x3e: {  	v3 =	vadd.s32 v1, v3;
	s25 =	simm.s32 $0x5200  }
0x3f: {  	[hbm4b:s6+s3] =	stream.indirect_vreg.scatter [tilespmem:s25], [sflag:$0x3], $0x80, v4, vm0, $0xb8;
	[tilespmem:$0x10200] =	vst v63  }
0x40: {  	s25 =	simm.s32 $0x5A00  }
0x41: {  	[hbm4b:s7+s3] =	stream.indirect_vreg.scatter [tilespmem:s25], [sflag:$0x3], $0x80, v4, vm0, $0xb8;
	[tilespmem:$0x10200] =	vst v63  }
0x42: {  	s25 =	simm.s32 $0x6200  }
0x43: {  	[hbm4b:s1+s3] =	stream.indirect_vreg.scatter [tilespmem:s25], [sflag:$0x3], $0x80, v3, vm0, $0xb8;
	[tilespmem:$0x10200] =	vst v63  }
0x44: {  	s25 =	simm.s32 $0x6A00  }
0x45: {  	[hbm4b:s5+s3] =	stream.indirect_vreg.scatter [tilespmem:s25], [sflag:$0x3], $0x80, v3, vm0, $0xb8;
	[tilespmem:$0x10200] =	vst v63  }
0x46: {  	s25 =	simm.s32 $0x7200  }
0x47: {  	[hbm4b:s6+s3] =	stream.indirect_vreg.scatter [tilespmem:s25], [sflag:$0x3], $0x80, v3, vm0, $0xb8;
	[tilespmem:$0x10200] =	vst v63  }
0x48: {  	s25 =	simm.s32 $0x7A00  }
0x49: {  	[hbm4b:s7+s3] =	stream.indirect_vreg.scatter [tilespmem:s25], [sflag:$0x3], $0x80, v3, vm0, $0xb8;
	[tilespmem:$0x10200] =	vst v63  }
0x4a: {  	_ =	swait.ge [sflag:s30], $0x8000  }
0x4b: {  	[sflag:s30] =	ssyncset.done $0x0  }
0x4c: {  	s0 =	rddreg [dreg:$0x6];
	[sflag:s30] =	ssyncadd.s32 $0xFFFF8000  }
0x4d: {  	[tilespmem:s11], [sflag:$0x1] =	stream.linear.gather [hbm4b:s0+s3], $0x8000, $0x38;
	[tilespmem:$0x10200] =	vst v63  }
0x4e: {  	s0 =	simm.s32 $0x2  }
0x4f: {  	_ =	swait.ge [sflag:s0], $0x8000  }
0x50: {  	[sflag:s0] =	ssyncset.done $0x0  }
0x51: {  	[sflag:s0] =	ssyncadd.s32 $0xFFFF8000  }
0x52: {  	v3 =	vld [tilespmem:$0x80];
	_ =	sdelay $0x4  }
0x53: {  	v58 =	vshll.u32 v3, $0x3  }
0x54: {  	v3 =	vand.u32 $0x7, v3;
	v4 =	vand.u32 $0xFFFFFFC0, v58  }
0x55: {  	v3 =	vor.u32 v3, v4  }
0x56: {  	v4 =	vperm.xlane v3, v0;
	_ =	sdelay $0x1  }
0x57: {  	v4 =	vadd.s32 v1, v4;
	_ =	sdelay $0x4  }
0x58: {  	[hbm4b:s1+s3] =	stream.indirect_vreg.scatter [tilespmem:s12], [sflag:$0x4], $0x80, v4, vm0, $0xb8;
	[tilespmem:$0x10200] =	vst v63  }
0x59: {  	v3 =	vperm.xlane v3, v2  }
0x5a: {  	[hbm4b:s5+s3] =	stream.indirect_vreg.scatter [tilespmem:s22], [sflag:$0x4], $0x80, v4, vm0, $0xb8;
	[tilespmem:$0x10200] =	vst v63  }
0x5b: {  	v3 =	vadd.s32 v1, v3  }
0x5c: {  	[hbm4b:s6+s3] =	stream.indirect_vreg.scatter [tilespmem:s23], [sflag:$0x4], $0x80, v4, vm0, $0xb8;
	[tilespmem:$0x10200] =	vst v63  }
0x5d: {  	_ = 	snop  }
0x5e: {  	[hbm4b:s7+s3] =	stream.indirect_vreg.scatter [tilespmem:s9], [sflag:$0x4], $0x80, v4, vm0, $0xb8;
	[tilespmem:$0x10200] =	vst v63  }
0x5f: {  	_ = 	snop  }
0x60: {  	[hbm4b:s1+s3] =	stream.indirect_vreg.scatter [tilespmem:s10], [sflag:$0x4], $0x80, v3, vm0, $0xb8;
	[tilespmem:$0x10200] =	vst v63  }
0x61: {  	_ = 	snop  }
0x62: {  	[hbm4b:s5+s3] =	stream.indirect_vreg.scatter [tilespmem:s2], [sflag:$0x4], $0x80, v3, vm0, $0xb8;
	[tilespmem:$0x10200] =	vst v63  }
0x63: {  	_ = 	snop  }
0x64: {  	[hbm4b:s6+s3] =	stream.indirect_vreg.scatter [tilespmem:s4], [sflag:$0x4], $0x80, v3, vm0, $0xb8;
	[tilespmem:$0x10200] =	vst v63  }
0x65: {  	_ = 	snop  }
0x66: {  	[hbm4b:s7+s3] =	stream.indirect_vreg.scatter [tilespmem:s13], [sflag:$0x4], $0x80, v3, vm0, $0xb8;
	[tilespmem:$0x10200] =	vst v63  }
0x67: {  	v3 =	vld [tilespmem:$0x90];
	_ =	sdelay $0x4  }
0x68: {  	v59 =	vshll.u32 v3, $0x3  }
0x69: {  	v3 =	vand.u32 $0x7, v3;
	v4 =	vand.u32 $0xFFFFFFC0, v59  }
0x6a: {  	v3 =	vor.u32 v3, v4  }
0x6b: {  	v4 =	vperm.xlane v3, v0;
	_ =	sdelay $0x1  }
0x6c: {  	v4 =	vadd.s32 v1, v4;
	_ =	sdelay $0x4  }
0x6d: {  	[hbm4b:s1+s3] =	stream.indirect_vreg.scatter [tilespmem:s14], [sflag:$0x4], $0x80, v4, vm0, $0xb8;
	[tilespmem:$0x10200] =	vst v63  }
0x6e: {  	v3 =	vperm.xlane v3, v2  }
0x6f: {  	[hbm4b:s5+s3] =	stream.indirect_vreg.scatter [tilespmem:s15], [sflag:$0x4], $0x80, v4, vm0, $0xb8;
	[tilespmem:$0x10200] =	vst v63  }
0x70: {  	v3 =	vadd.s32 v1, v3  }
0x71: {  	[hbm4b:s6+s3] =	stream.indirect_vreg.scatter [tilespmem:s16], [sflag:$0x4], $0x80, v4, vm0, $0xb8;
	[tilespmem:$0x10200] =	vst v63  }
0x72: {  	_ = 	snop  }
0x73: {  	[hbm4b:s7+s3] =	stream.indirect_vreg.scatter [tilespmem:s17], [sflag:$0x4], $0x80, v4, vm0, $0xb8;
	[tilespmem:$0x10200] =	vst v63  }
0x74: {  	_ = 	snop  }
0x75: {  	[hbm4b:s1+s3] =	stream.indirect_vreg.scatter [tilespmem:s18], [sflag:$0x4], $0x80, v3, vm0, $0xb8;
	[tilespmem:$0x10200] =	vst v63  }
0x76: {  	_ = 	snop  }
0x77: {  	[hbm4b:s5+s3] =	stream.indirect_vreg.scatter [tilespmem:s19], [sflag:$0x4], $0x80, v3, vm0, $0xb8;
	[tilespmem:$0x10200] =	vst v63  }
0x78: {  	_ = 	snop  }
0x79: {  	[hbm4b:s6+s3] =	stream.indirect_vreg.scatter [tilespmem:s20], [sflag:$0x4], $0x80, v3, vm0, $0xb8;
	[tilespmem:$0x10200] =	vst v63  }
0x7a: {  	_ = 	snop  }
0x7b: {  	[hbm4b:s7+s3] =	stream.indirect_vreg.scatter [tilespmem:s21], [sflag:$0x4], $0x80, v3, vm0, $0xb8;
	[tilespmem:$0x10200] =	vst v63  }
0x7c: {  	_ =	swait.ge [sflag:s24], $0x8000  }
0x7d: {  	[sflag:s24] =	ssyncset.done $0x0  }
0x7e: {  	s25 =	rddreg [dreg:$0x7];
	[sflag:s24] =	ssyncadd.s32 $0xFFFF8000  }
0x7f: {  	[tilespmem:s12], [sflag:$0x2] =	stream.linear.gather [hbm4b:s25+s3], $0x8000, $0x38;
	[tilespmem:$0x10200] =	vst v63  }
0x80: {  	_ =	swait.ge [sflag:s29], $0x8000  }
0x81: {  	[sflag:s29] =	ssyncset.done $0x0  }
0x82: {  	[sflag:s29] =	ssyncadd.s32 $0xFFFF8000  }
0x83: {  	v3 =	vld [tilespmem:$0x100];
	_ =	sdelay $0x4  }
0x84: {  	v60 =	vshll.u32 v3, $0x3  }
0x85: {  	v3 =	vand.u32 $0x7, v3;
	v4 =	vand.u32 $0xFFFFFFC0, v60  }
0x86: {  	v3 =	vor.u32 v3, v4  }
0x87: {  	v4 =	vperm.xlane v3, v0;
	_ =	sdelay $0x1  }
0x88: {  	v4 =	vadd.s32 v1, v4;
	_ =	sdelay $0x4  }
0x89: {  	[hbm4b:s1+s3] =	stream.indirect_vreg.scatter [tilespmem:s11], [sflag:$0x3], $0x80, v4, vm0, $0xb8;
	[tilespmem:$0x10200] =	vst v63  }
0x8a: {  	v3 =	vperm.xlane v3, v2  }
0x8b: {  	[hbm4b:s5+s3] =	stream.indirect_vreg.scatter [tilespmem:s26], [sflag:$0x3], $0x80, v4, vm0, $0xb8;
	[tilespmem:$0x10200] =	vst v63  }
0x8c: {  	v3 =	vadd.s32 v1, v3  }
0x8d: {  	[hbm4b:s6+s3] =	stream.indirect_vreg.scatter [tilespmem:s28], [sflag:$0x3], $0x80, v4, vm0, $0xb8;
	[tilespmem:$0x10200] =	vst v63  }
0x8e: {  	_ = 	snop  }
0x8f: {  	[hbm4b:s7+s3] =	stream.indirect_vreg.scatter [tilespmem:s31], [sflag:$0x3], $0x80, v4, vm0, $0xb8;
	[tilespmem:$0x10200] =	vst v63  }
0x90: {  	s25 =	simm.s32 $0x2200  }
0x91: {  	[hbm4b:s1+s3] =	stream.indirect_vreg.scatter [tilespmem:s25], [sflag:$0x3], $0x80, v3, vm0, $0xb8;
	[tilespmem:$0x10200] =	vst v63  }
0x92: {  	s26 =	simm.s32 $0x2A00  }
0x93: {  	[hbm4b:s5+s3] =	stream.indirect_vreg.scatter [tilespmem:s26], [sflag:$0x3], $0x80, v3, vm0, $0xb8;
	[tilespmem:$0x10200] =	vst v63  }
0x94: {  	s25 =	simm.s32 $0x3200  }
0x95: {  	[hbm4b:s6+s3] =	stream.indirect_vreg.scatter [tilespmem:s25], [sflag:$0x3], $0x80, v3, vm0, $0xb8;
	[tilespmem:$0x10200] =	vst v63  }
0x96: {  	s26 =	simm.s32 $0x3A00  }
0x97: {  	[hbm4b:s7+s3] =	stream.indirect_vreg.scatter [tilespmem:s26], [sflag:$0x3], $0x80, v3, vm0, $0xb8;
	[tilespmem:$0x10200] =	vst v63  }
0x98: {  	v3 =	vld [tilespmem:$0x110];
	_ =	sdelay $0x4  }
0x99: {  	v61 =	vshll.u32 v3, $0x3  }
0x9a: {  	v3 =	vand.u32 $0x7, v3;
	v4 =	vand.u32 $0xFFFFFFC0, v61  }
0x9b: {  	v3 =	vor.u32 v3, v4  }
0x9c: {  	v4 =	vperm.xlane v3, v0;
	_ =	sdelay $0x1  }
0x9d: {  	v4 =	vadd.s32 v1, v4;
	_ =	sdelay $0x3  }
0x9e: {  	s25 =	simm.s32 $0x4200  }
0x9f: {  	[hbm4b:s1+s3] =	stream.indirect_vreg.scatter [tilespmem:s25], [sflag:$0x3], $0x80, v4, vm0, $0xb8;
	[tilespmem:$0x10200] =	vst v63  }
0xa0: {  	s26 =	simm.s32 $0x4A00;
	v3 =	vperm.xlane v3, v2  }
0xa1: {  	[hbm4b:s5+s3] =	stream.indirect_vreg.scatter [tilespmem:s26], [sflag:$0x3], $0x80, v4, vm0, $0xb8;
	[tilespmem:$0x10200] =	vst v63  }
0xa2: {  	v3 =	vadd.s32 v1, v3;
	s25 =	simm.s32 $0x5200  }
0xa3: {  	[hbm4b:s6+s3] =	stream.indirect_vreg.scatter [tilespmem:s25], [sflag:$0x3], $0x80, v4, vm0, $0xb8;
	[tilespmem:$0x10200] =	vst v63  }
0xa4: {  	s26 =	simm.s32 $0x5A00  }
0xa5: {  	[hbm4b:s7+s3] =	stream.indirect_vreg.scatter [tilespmem:s26], [sflag:$0x3], $0x80, v4, vm0, $0xb8;
	[tilespmem:$0x10200] =	vst v63  }
0xa6: {  	s25 =	simm.s32 $0x6200  }
0xa7: {  	[hbm4b:s1+s3] =	stream.indirect_vreg.scatter [tilespmem:s25], [sflag:$0x3], $0x80, v3, vm0, $0xb8;
	[tilespmem:$0x10200] =	vst v63  }
0xa8: {  	s26 =	simm.s32 $0x6A00  }
0xa9: {  	[hbm4b:s5+s3] =	stream.indirect_vreg.scatter [tilespmem:s26], [sflag:$0x3], $0x80, v3, vm0, $0xb8;
	[tilespmem:$0x10200] =	vst v63  }
0xaa: {  	s25 =	simm.s32 $0x7200  }
0xab: {  	[hbm4b:s6+s3] =	stream.indirect_vreg.scatter [tilespmem:s25], [sflag:$0x3], $0x80, v3, vm0, $0xb8;
	[tilespmem:$0x10200] =	vst v63  }
0xac: {  	s26 =	simm.s32 $0x7A00  }
0xad: {  	[hbm4b:s7+s3] =	stream.indirect_vreg.scatter [tilespmem:s26], [sflag:$0x3], $0x80, v3, vm0, $0xb8;
	[tilespmem:$0x10200] =	vst v63  }
0xae: {  	_ =	swait.ge [sflag:s0], $0x8000  }
0xaf: {  	[sflag:s0] =	ssyncset.done $0x0  }
0xb0: {  	[sflag:s0] =	ssyncadd.s32 $0xFFFF8000  }
0xb1: {  	v3 =	vld [tilespmem:$0x180];
	_ =	sdelay $0x4  }
0xb2: {  	v62 =	vshll.u32 v3, $0x3  }
0xb3: {  	v3 =	vand.u32 $0x7, v3;
	v4 =	vand.u32 $0xFFFFFFC0, v62  }
0xb4: {  	v3 =	vor.u32 v3, v4  }
0xb5: {  	v4 =	vperm.xlane v3, v0;
	_ =	sdelay $0x1  }
0xb6: {  	v4 =	vadd.s32 v1, v4;
	_ =	sdelay $0x4  }
0xb7: {  	[hbm4b:s1+s3] =	stream.indirect_vreg.scatter [tilespmem:s12], [sflag:$0x4], $0x80, v4, vm0, $0xb8;
	[tilespmem:$0x10200] =	vst v63  }
0xb8: {  	v3 =	vperm.xlane v3, v2  }
0xb9: {  	[hbm4b:s5+s3] =	stream.indirect_vreg.scatter [tilespmem:s22], [sflag:$0x4], $0x80, v4, vm0, $0xb8;
	[tilespmem:$0x10200] =	vst v63  }
0xba: {  	v3 =	vadd.s32 v1, v3  }
0xbb: {  	[hbm4b:s6+s3] =	stream.indirect_vreg.scatter [tilespmem:s23], [sflag:$0x4], $0x80, v4, vm0, $0xb8;
	[tilespmem:$0x10200] =	vst v63  }
0xbc: {  	_ = 	snop  }
0xbd: {  	[hbm4b:s7+s3] =	stream.indirect_vreg.scatter [tilespmem:s9], [sflag:$0x4], $0x80, v4, vm0, $0xb8;
	[tilespmem:$0x10200] =	vst v63  }
0xbe: {  	_ = 	snop  }
0xbf: {  	[hbm4b:s1+s3] =	stream.indirect_vreg.scatter [tilespmem:s10], [sflag:$0x4], $0x80, v3, vm0, $0xb8;
	[tilespmem:$0x10200] =	vst v63  }
0xc0: {  	_ = 	snop  }
0xc1: {  	[hbm4b:s5+s3] =	stream.indirect_vreg.scatter [tilespmem:s2], [sflag:$0x4], $0x80, v3, vm0, $0xb8;
	[tilespmem:$0x10200] =	vst v63  }
0xc2: {  	_ = 	snop  }
0xc3: {  	[hbm4b:s6+s3] =	stream.indirect_vreg.scatter [tilespmem:s4], [sflag:$0x4], $0x80, v3, vm0, $0xb8;
	[tilespmem:$0x10200] =	vst v63  }
0xc4: {  	_ = 	snop  }
0xc5: {  	[hbm4b:s7+s3] =	stream.indirect_vreg.scatter [tilespmem:s13], [sflag:$0x4], $0x80, v3, vm0, $0xb8;
	[tilespmem:$0x10200] =	vst v63  }
0xc6: {  	v3 =	vld [tilespmem:$0x190];
	_ =	sdelay $0x4  }
0xc7: {  	v63 =	vshll.u32 v3, $0x3  }
0xc8: {  	v3 =	vand.u32 $0x7, v3;
	v4 =	vand.u32 $0xFFFFFFC0, v63  }
0xc9: {  	v3 =	vor.u32 v3, v4  }
0xca: {  	v4 =	vperm.xlane v3, v0;
	_ =	sdelay $0x1  }
0xcb: {  	v4 =	vadd.s32 v1, v4;
	_ =	sdelay $0x4  }
0xcc: {  	[hbm4b:s1+s3] =	stream.indirect_vreg.scatter [tilespmem:s14], [sflag:$0x4], $0x80, v4, vm0, $0xb8;
	[tilespmem:$0x10200] =	vst v63  }
0xcd: {  	v3 =	vperm.xlane v3, v2  }
0xce: {  	[hbm4b:s5+s3] =	stream.indirect_vreg.scatter [tilespmem:s15], [sflag:$0x4], $0x80, v4, vm0, $0xb8;
	[tilespmem:$0x10200] =	vst v63  }
0xcf: {  	v3 =	vadd.s32 v1, v3  }
0xd0: {  	[hbm4b:s6+s3] =	stream.indirect_vreg.scatter [tilespmem:s16], [sflag:$0x4], $0x80, v4, vm0, $0xb8;
	[tilespmem:$0x10200] =	vst v63  }
0xd1: {  	_ = 	snop  }
0xd2: {  	[hbm4b:s7+s3] =	stream.indirect_vreg.scatter [tilespmem:s17], [sflag:$0x4], $0x80, v4, vm0, $0xb8;
	[tilespmem:$0x10200] =	vst v63  }
0xd3: {  	_ = 	snop  }
0xd4: {  	[hbm4b:s1+s3] =	stream.indirect_vreg.scatter [tilespmem:s18], [sflag:$0x4], $0x80, v3, vm0, $0xb8;
	[tilespmem:$0x10200] =	vst v63  }
0xd5: {  	_ = 	snop  }
0xd6: {  	[hbm4b:s5+s3] =	stream.indirect_vreg.scatter [tilespmem:s19], [sflag:$0x4], $0x80, v3, vm0, $0xb8;
	[tilespmem:$0x10200] =	vst v63  }
0xd7: {  	_ = 	snop  }
0xd8: {  	[hbm4b:s6+s3] =	stream.indirect_vreg.scatter [tilespmem:s20], [sflag:$0x4], $0x80, v3, vm0, $0xb8;
	[tilespmem:$0x10200] =	vst v63  }
0xd9: {  	_ = 	snop  }
0xda: {  	[hbm4b:s7+s3] =	stream.indirect_vreg.scatter [tilespmem:s21], [sflag:$0x4], $0x80, v3, vm0, $0xb8;
	[tilespmem:$0x10200] =	vst v63  }
0xdb: {  	p0 =	sne.s32 s8, $0x1;
	_ =	swait.ge [sflag:s30], $0x8000  }
.Ltmp0:
0xdc: {  	[sflag:s30] =	ssyncset.done $0x0;
	(pc) =	sbr.rel @p0 .LBB2_1-.Ltmp0, $4  }
0xdd: {  	[sflag:s30] =	ssyncadd.s32 $0xFFFF8000  }
0xde: {  	_ =	swait.ge [sflag:s24], $0x8000  }
0xdf: {  	[sflag:s24] =	ssyncset.done $0x0  }
0xe0: {  	s8 =	sadd.s32 $0xFFFFFFFF, s8;
	[sflag:s24] =	ssyncadd.s32 $0xFFFF8000  }
0xe1: {  	_ =	sfence.sel $0x180000  }
0xe2: {  	[bflag:$0x0] =	sbarrier.arrive $0xFFFF  }
0xe3: {  	_ =	strace $0x90000047  }
0xe4: {  	s0 =	stileid.u32;
	[bflag:$0x2] =	sbarrier.arrive $0xFFFF  }
0xe5: {  	p0 =	sne.s32 s0, $0x0;
	s0 =	rddreg [dreg:$0x3]  }
0xe6: {  	s0 =	sadd.s32 @!p0 $0x100000, s0  }
0xe7: {  	[sflag:s0] =	ssyncadd.tile.s32 @!p0 $0x1;
	_ =	shalt  }
.Lfunc_end2:
_tile_overlayer_lowered:
.L_overlay_start_2:
0xe8: {  	(tag) =	ssettag $0x2  }
0xe9: {  	s0 =	rddreg [dreg:$0x0];
	s2 =	stileid.u32  }
0xea: {  	s1 =	rddreg [dreg:$0x1];
	p0 =	sne.s32 s2, $0x0  }
0xeb: {  	s3 =	rddreg [dreg:$0x2];
	[bflag:$0x3] =	sbarrier.arrive $0xFFFF;
	s2 =	simm.s32 @!p0 $0x1C05  }
0xec: {  	[timem:s3], [sflag:s2] =	dma.local @!p0 [hbm:s0], s1  }
0xed: {  	s0 =	simm.s32 @!p0 $0x5  }
0xee: {  	_ =	swait.ge @!p0 [sflag:s0], s1  }
0xef: {  	s1 =	ssub.s32 @!p0 $0x0, s1;
	[sflag:s0] =	ssyncset.done @!p0 $0x0  }
0xf0: {  	[sflag:s0] =	ssyncadd.s32 @!p0 s1  }
0xf1: {  	[bflag:$0x3] =	sbarrier.arrive $0xFFFF  }
0xf2: {  	_ =	shalt  }

// kernel: kernel.9.cloned.1.call-start
scs
__scs_entry_jumppad:
0x0: {  	(pc) =	sbr.rel $0x88, $3  }
0x1: {  	(tag) =	ssettag $0x0;
	lr =	simm.s32 $0x1  }
0x2: {  	[smem:$0x3F9E] =	sst lr;
	_ =	strace $0xD0000000  }
0x3: {  	_ = 	snop  }
0x4: {  	_ = 	snop  }
0x5: {  	_ = 	snop  }
0x6: {  	_ = 	snop  }
0x7: {  	_ = 	snop  }
__scs_overlays_trampoline_lowered:
0x8: {  	[smem:$0x3FAD] =	sst s0  }
0x9: {  	[smem:$0x3FAE] =	sst s1  }
0xa: {  	[smem:$0x3FAF] =	sst s2  }
0xb: {  	[smem:$0x3FB0] =	sst s3  }
0xc: {  	[smem:$0x3FB1] =	sst s4  }
0xd: {  	[smem:$0x3FB2] =	sst s5  }
0xe: {  	[smem:$0x3FB3] =	sst s6  }
0xf: {  	[smem:$0x3FB4] =	sst s7  }
0x10: {  	[smem:$0x3FB5] =	sst s8  }
0x11: {  	[smem:$0x3FB6] =	sst s9;
	s0 =	simm.s32 @!p0 $0x0  }
0x12: {  	s1 =	sld [smem:$0x3F9C];
	s0 =	simm.s32 @p0 $0x1  }
0x13: {  	[smem:$0x3FB7] =	sst s0;
	s0 =	simm.s32 @!p1 $0x0  }
0x14: {  	s2 =	sld [smem:$0x3F9B];
	s0 =	simm.s32 @p1 $0x1  }
0x15: {  	[smem:$0x3FB8] =	sst s0;
	s0 =	simm.s32 @!p2 $0x0  }
0x16: {  	s3 =	sld [smem:$0x3FDB];
	s0 =	simm.s32 @p2 $0x1  }
0x17: {  	s4 =	simm.s32 $0x1BF5;
	[smem:$0x3FBA] =	sst s0  }
0x18: {  	s0 =	sld [smem:$0x3F9D];
	_ =	swait.ge [sflag:s4], $0x0  }
0x19: {  	s7 =	sld [smem:$0x3F9E]  }
0x1a: {  	s8 =	sadd.s32 $0xFFFFE003, lr  }
0x1b: {  	s9 =	sadd.s32 $0xFFFFFEF7, lr;
	s5 =	simm.s32 $0xFFFFFFFF;
	p2 =	slt.u32 s8, $0xFFFFF086  }
0x1c: {  	p1 =	slt.u32 s9, $0xF7A;
	s5 =	simm.s32 @!p2 $0x0  }
0x1d: {  	s5 =	simm.s32 @p1 $0x1;
	p0 =	seq.s32 s7, s2  }
0x1e: {  	s7 =	smul.u32 @!p0 $0xF7A, s2;
	p2 =	seq.s32 @!p0 s5, $0x0  }
0x1f: {  	s9 =	smul.u32 $0xF7A, s1;
	s8 =	simm.s32 @!p0 $0x1BF5;
	p2 =	por !p2, p0  }
0x20: {  	[sflag:s8] =	ssyncset.s32 @!p0 $0xFFFFF086;
	s6 =	sadd.s32 @!p0 s3, s7;
	s7 =	simm.s32 @!p0 $0x108  }
0x21: {  	s3 =	sadd.s32 s3, s9;
	s6 =	sadd.s32 @!p0 $0x88, s6;
	s7 =	simm.s32 @p2 $0x1082  }
0x22: {  	[simem:s7], [sflag:s8] =	dma.local @!p0 [hbm:s6], $0xF7A  }
0x23: {  	s9 =	sor.u32 $0xD0000000, s2;
	s6 =	simm.s32 $0x108;
	_ =	swait.ge @!p0 [sflag:s8], $0x0  }
0x24: {  	s3 =	sadd.s32 $0x88, s3;
	s6 =	simm.s32 @!p1 $0x1082;
	[sflag:s4] =	ssyncset.s32 $0xFFFFF086  }
0x25: {  	[simem:s6], [sflag:s4] =	dma.local [hbm:s3], $0xF7A  }
0x26: {  	[smem:$0x3F9E] =	sst s1;
	(tag) =	ssettag s2;
	_ =	strace s9  }
0x27: {  	s1 =	sld [smem:$0x3FAE]  }
0x28: {  	s2 =	sld [smem:$0x3FAF]  }
0x29: {  	s4 =	sld [smem:$0x3FB1]  }
0x2a: {  	p0 =	seq.s32 s5, $0x0;
	s5 =	sld [smem:$0x3FB2]  }
0x2b: {  	s6 =	sld [smem:$0x3FB3]  }
0x2c: {  	s7 =	sld [smem:$0x3FB4]  }
0x2d: {  	s3 =	simm.s32 $0x108;
	s8 =	sld [smem:$0x3FB5]  }
0x2e: {  	s3 =	simm.s32 @!p0 $0x1082;
	s9 =	sld [smem:$0x3FB6]  }
0x2f: {  	lr =	sadd.s32 s0, s3;
	s0 =	sld [smem:$0x3FAD]  }
0x30: {  	s3 =	sld [smem:$0x3FB0]  }
0x31: {  	[smem:$0x3FB9] =	sst s10  }
0x32: {  	s10 =	sld [smem:$0x3FB7];
	_ =	sdelay $0x3  }
0x33: {  	p0 =	seq.s32 s10, $0x1;
	s10 =	sld [smem:$0x3FB9];
	_ =	sdelay $0x3  }
0x34: {  	[smem:$0x3FB9] =	sst s10  }
0x35: {  	s10 =	sld [smem:$0x3FB8];
	_ =	sdelay $0x3  }
0x36: {  	p1 =	seq.s32 s10, $0x1;
	s10 =	sld [smem:$0x3FB9];
	_ =	sdelay $0x3  }
0x37: {  	[smem:$0x3FB9] =	sst s10  }
0x38: {  	s10 =	sld [smem:$0x3FBA]  }
0x39: {  	_ = 	snop;
	(pc) =	sbr.ind lr, $3  }
0x3a: {  	_ = 	snop  }
0x3b: {  	_ = 	snop  }
0x3c: {  	p2 =	seq.s32 s10, $0x1;
	s10 =	sld [smem:$0x3FB9]  }
0x3d: {  	_ =	shalt  }
0x3e: {  	_ =	shalt  }
0x3f: {  	_ =	shalt  }
0x40: {  	_ =	shalt  }
0x41: {  	_ =	shalt  }
0x42: {  	_ =	shalt  }
0x43: {  	_ =	shalt  }
0x44: {  	_ =	shalt  }
0x45: {  	_ =	shalt  }
0x46: {  	_ =	shalt  }
0x47: {  	_ =	shalt  }
0x48: {  	_ =	shalt  }
0x49: {  	_ =	shalt  }
0x4a: {  	_ =	shalt  }
0x4b: {  	_ =	shalt  }
0x4c: {  	_ =	shalt  }
0x4d: {  	_ =	shalt  }
0x4e: {  	_ =	shalt  }
0x4f: {  	_ =	shalt  }
0x50: {  	_ =	shalt  }
0x51: {  	_ =	shalt  }
0x52: {  	_ =	shalt  }
0x53: {  	_ =	shalt  }
0x54: {  	_ =	shalt  }
0x55: {  	_ =	shalt  }
0x56: {  	_ =	shalt  }
0x57: {  	_ =	shalt  }
0x58: {  	_ =	shalt  }
0x59: {  	_ =	shalt  }
0x5a: {  	_ =	shalt  }
0x5b: {  	_ =	shalt  }
0x5c: {  	_ =	shalt  }
0x5d: {  	_ =	shalt  }
0x5e: {  	_ =	shalt  }
0x5f: {  	_ =	shalt  }
0x60: {  	_ =	shalt  }
0x61: {  	_ =	shalt  }
0x62: {  	_ =	shalt  }
0x63: {  	_ =	shalt  }
0x64: {  	_ =	shalt  }
0x65: {  	_ =	shalt  }
0x66: {  	_ =	shalt  }
0x67: {  	_ =	shalt  }
0x68: {  	_ =	shalt  }
0x69: {  	_ =	shalt  }
0x6a: {  	_ =	shalt  }
0x6b: {  	_ =	shalt  }
0x6c: {  	_ =	shalt  }
0x6d: {  	_ =	shalt  }
0x6e: {  	_ =	shalt  }
0x6f: {  	_ =	shalt  }
0x70: {  	_ =	shalt  }
0x71: {  	_ =	shalt  }
0x72: {  	_ =	shalt  }
0x73: {  	_ =	shalt  }
0x74: {  	_ =	shalt  }
0x75: {  	_ =	shalt  }
0x76: {  	_ =	shalt  }
0x77: {  	_ =	shalt  }
0x78: {  	_ =	shalt  }
0x79: {  	_ =	shalt  }
0x7a: {  	_ =	shalt  }
0x7b: {  	_ =	shalt  }
0x7c: {  	_ =	shalt  }
0x7d: {  	_ =	shalt  }
0x7e: {  	_ =	shalt  }
0x7f: {  	_ =	shalt  }
0x80: {  	_ =	shalt  }
0x81: {  	_ =	shalt  }
0x82: {  	_ =	shalt  }
0x83: {  	_ =	shalt  }
0x84: {  	_ =	shalt  }
0x85: {  	_ =	shalt  }
0x86: {  	_ =	shalt  }
0x87: {  	_ =	shalt  }
.Lfunc_end0:
.L_simem_size_0:
called_computation.1_lowered:
.L_overlay_start_0:
0x88: {  	s2 =	sld [smem:$0x3FD9]  }
0x89: {  	s3 =	sld [smem:$0x3FFE];
	_ =	sdelay $0x1  }
0x8a: {  	s1 =	srdreg.scid  }
0x8b: {  	s0 =	sand.u32 $0x1, s1  }
0x8c: {  	s17 =	sshll.u32 s0, $0xA;
	s2 =	sadd.s32 s3, s2  }
0x8d: {  	s2 =	sadd.s32 s2, s17  }
0x8e: {  	[smem:$0x3FC5] =	sst s2  }
0x8f: {  	_ = 	snop  }
0x90: {  	s2 =	sld [smem:$0x3FD0];
	(tm) =	ssettm $0x1  }
0x91: {  	s18 =	sld [smem:$0x3FFB];
	_ =	sdelay $0x3  }
0x92: {  	_ =	strace s18  }
0x93: {  	s3 =	sld [smem:$0x3FFC];
	_ =	sdelay $0x3  }
0x94: {  	_ =	strace s3  }
0x95: {  	s3 =	sld [smem:$0x3FFD];
	_ =	sdelay $0x3  }
0x96: {  	_ =	strace s3  }
0x97: {  	_ =	strace $0x8FFFFFFF  }
0x98: {  	s19 =	sld [smem:$0x3FDB];
	_ =	sdelay $0x1  }
0x99: {  	s4 =	simm.s32 $_scs_section_size  }
0x9a: {  	s5 =	simm.s32 $_size__tile_overlayer_lowered;
	s6 =	simm.s32 $_tile_overlayer_lowered  }
0x9b: {  	s22 =	simm.s32 $0x1BFF;
	s21 =	sshll.u32 s6, $0x1;
	s3 =	sadd.s32 s4, s19  }
0x9c: {  	s7 =	simm.s32 $0x0;
	s20 =	sshll.u32 s5, $0x1;
	s5 =	sadd.s32 s21, s3  }
0x9d: {  	[timem:s7], [sflag:s22] =	dma.local [hbm:s5], s20  }
0x9e: {  	_ =	swait.ge [sflag:s22], s20  }
0x9f: {  	s4 =	ssub.s32 $0x0, s20;
	[sflag:s22] =	ssyncset.done $0x0  }
0xa0: {  	[sflag:s22] =	ssyncadd.s32 s4;
	_ =	sdelay $0x1  }
0xa1: {  	s23 =	simm.s32 $0x1B8B  }
0xa2: {  	_ =	swait.ge [sflag:s23], $0x1  }
0xa3: {  	[sflag:s23] =	ssyncset.done $0x0  }
0xa4: {  	s25 =	simm.s32 $0x1B8E;
	s24 =	sld [smem:$0x3FFE];
	[sflag:s23] =	ssyncadd.s32 $0xFFFFFFFF  }
0xa5: {  	s26 =	simm.s32 $execute0_lowered;
	[smem:$0x3FD2] =	sst s25  }
0xa6: {  	s5 =	sshll.u32 s26, $0x1;
	_ =	strace $0x80000049;
	[dreg:$0x1] =	wrdreg $0xFFFFFFFF  }
0xa7: {  	s28 =	simm.s32 $_size_execute0_lowered;
	s3 =	sadd.s32 s3, s5;
	[dreg:$0x0] =	wrdreg $0x0  }
0xa8: {  	s5 =	sshll.u32 s28, $0x1;
	[dreg:$0x2] =	wrdreg s3  }
0xa9: {  	[dreg:$0x3] =	wrdreg s5  }
0xaa: {  	[dreg:$0x4] =	wrdreg $0xC0  }
0xab: {  	_ =	task [dreg:s7], $0x5FFFF  }
0xac: {  	[dreg:$0x1] =	wrdreg $0xFFFFFFFF  }
0xad: {  	[dreg:$0x0] =	wrdreg $0x60  }
0xae: {  	[dreg:$0x2] =	wrdreg s24  }
0xaf: {  	[dreg:$0x3] =	wrdreg s2  }
0xb0: {  	[dreg:$0x4] =	wrdreg $0x9  }
0xb1: {  	_ =	task.clear_ibuf [dreg:s7], $0x5FFFF;
	_ =	strace $0x90000049  }
0xb2: {  	s29 =	simm.s32 $0x9;
	_ =	strace $0x8000004B  }
0xb3: {  	_ =	swait.ge [sflag:s29], $0x1  }
0xb4: {  	[sflag:s29] =	ssyncadd.s32 $0xFFFFFFFF  }
0xb5: {  	_ =	strace $0x9000004B  }
0xb6: {  	_ =	sfence  }
0xb7: {  	s30 =	sld [smem:$0x0];
	_ =	sdelay $0x2  }
0xb8: {  	s31 =	sshll.u32 s1, $0xD;
	s1 =	sshrl.u32 s1, $0x2  }
0xb9: {  	s3 =	sand.u32 $0x4000, s31;
	s1 =	sadd.s32 s1, s30  }
0xba: {  	s0 =	sor.u32 s3, s0;
	s1 =	sshll.u32 s1, $0x11  }
0xbb: {  	s0 =	sor.u32 s1, s0  }
0xbc: {  	s0 =	sadd.s32 $0x8F2B, s0  }
0xbd: {  	[sflag:s0] =	ssyncadd.remote.s32 $0x1  }
0xbe: {  	_ =	sfence.sel $0xFFFF  }
0xbf: {  	[dreg:$0x0] =	wrdreg $0xFFFFFFFF;
	(pc) =	sbr.abs _section_cstart, $3  }
0xc0: {  	[dreg:$0x1] =	wrdreg $0xFFFFFFFF  }
0xc1: {  	_ =	task.clear_ibuf [dreg:s7], $0x2FFFF;
	_ =	strace $0x9FFFFFFF  }
0xc2: {  	(tm) =	ssettm $0x7FFFFFFF  }
0xc3: {  	_ =	shalt  }
tec
execute0_lowered:
.L_overlay_start_1:
0x0: {  	(tag) =	ssettag $0x1  }
0x1: {  	s0 =	rddreg [dreg:$0x0]  }
0x2: {  	s2 =	rddreg [dreg:$0x1];
	s1 =	simm.s32 $0x0;
	s3 =	srdreg.scid  }
0x3: {  	s8 =	stileid.u32;
	s21 =	simm.s32 $0x3;
	s22 =	simm.s32 $0x4  }
0x4: {  	s28 =	simm.s32 $0x1A00;
	s29 =	simm.s32 $0x2200;
	s30 =	simm.s32 $0x2A00  }
0x5: {  	s31 =	simm.s32 $0x3200;
	s11 =	simm.s32 $0x4A00;
	s12 =	simm.s32 $0x5200  }
0x6: {  	s13 =	simm.s32 $0x5A00;
	s14 =	simm.s32 $0x6200;
	s15 =	simm.s32 $0x6A00  }
0x7: {  	s16 =	simm.s32 $0x7200;
	s17 =	simm.s32 $0x7A00;
	s20 =	simm.s32 $0x8200  }
0x8: {  	s18 =	simm.s32 $0x8A00;
	s19 =	simm.s32 $0x9200;
	[smem:$0x7FF] =	sst s1  }
0x9: {  	s4 =	sand.u32 $0x1, s3;
	s3 =	sadd.s32 $0x1600, s0;
	s7 =	sshll.u32 s8, $0x7  }
0xa: {  	s8 =	sshll.u32 s8, $0xF;
	_ =	strace $0x8000004A;
	s5 =	sshll.u32 s4, $0x6  }
0xb: {  	s6 =	ssub.s32 $0x2, s4;
	s4 =	sshll.u32 s4, $0xE;
	s5 =	sadd.s32 s5, s0  }
0xc: {  	s9 =	sshrl.u32 s6, $0x1;
	s4 =	sor.u32 s4, s8;
	s5 =	sadd.s32 s7, s5  }
0xd: {  	s24 =	ssub.s32 s6, s9;
	s4 =	sadd.s32 s2, s4;
	s6 =	sadd.s32 $0x1800, s0  }
0xe: {  	s7 =	sadd.s32 $0x1900, s0;
	s5 =	sadd.s32 $0xE00, s5;
	[dreg:$0x7] =	wrdreg s4  }
0xf: {  	s9 =	simm.s32 $0x1;
	s2 =	sadd.s32 $0x1000, s4;
	[dreg:$0x3] =	wrdreg s5  }
0x10: {  	s25 =	sadd.s32 $0x2000, s4;
	s26 =	sadd.s32 $0x3000, s4;
	[dreg:$0x4] =	wrdreg s2  }
0x11: {  	v2 =	vlaneseq.u32;
	s8 =	smax.u32 s24, $0x1;
	s4 =	simm.s32 $0x2;
	[dreg:$0x5] =	wrdreg s25  }
0x12: {  	vm0 =	vmmov $0xffff;
	v1 =	vshrl.u32 v2, $0x3;
	s24 =	simm.s32 $0xA00;
	s5 =	sadd.s32 $0x1700, s0;
	[dreg:$0x6] =	wrdreg s26  }
0x13: {  	v0 =	vand.u32 $0x7, v2;
	v2 =	vor.u32 $0x8, v2;
	v1 =	vmul.u32 $0x8, v1;
	s26 =	simm.s32 $0x200;
	s25 =	simm.s32 $0x1200;
	s2 =	simm.s32 $0x4200  }
.LBB2_1:
0x14: {  	s23 =	rddreg [dreg:$0x3];
	s0 =	simm.s32 $0x5  }
0x15: {  	[tilespmem:s1], [sflag:$0x5] =	stream.linear.gather [hbm4b:s23+s1], $0x200, $0x38;
	[tilespmem:$0x10200] =	vst v63  }
0x16: {  	_ =	swait.ge [sflag:s0], $0x200  }
0x17: {  	[sflag:s0] =	ssyncset.done $0x0  }
0x18: {  	[sflag:s0] =	ssyncadd.s32 $0xFFFFFE00  }
0x19: {  	v3 =	vld [tilespmem:$0x0];
	_ =	sdelay $0x4  }
0x1a: {  	v4 =	vshll.u32 v3, $0x3  }
0x1b: {  	v3 =	vand.u32 $0x7, v3;
	v4 =	vand.u32 $0xFFFFFFC0, v4  }
0x1c: {  	v3 =	vor.u32 v3, v4  }
0x1d: {  	v4 =	vperm.xlane v3, v0;
	_ =	sdelay $0x1  }
0x1e: {  	v4 =	vadd.s32 v1, v4;
	_ =	sdelay $0x4  }
0x1f: {  	[tilespmem:s26], [sflag:$0x1] =	stream.indirect_vreg.gather [hbm4b:s3+s1], $0x80, v4, vm0, $0xb8;
	[tilespmem:$0x10200] =	vst v63  }
0x20: {  	v3 =	vperm.xlane v3, v2  }
0x21: {  	[tilespmem:s24], [sflag:$0x1] =	stream.indirect_vreg.gather [hbm4b:s5+s1], $0x80, v4, vm0, $0xb8;
	[tilespmem:$0x10200] =	vst v63  }
0x22: {  	v3 =	vadd.s32 v1, v3  }
0x23: {  	[tilespmem:s25], [sflag:$0x1] =	stream.indirect_vreg.gather [hbm4b:s6+s1], $0x80, v4, vm0, $0xb8;
	[tilespmem:$0x10200] =	vst v63  }
0x24: {  	_ = 	snop  }
0x25: {  	[tilespmem:s28], [sflag:$0x1] =	stream.indirect_vreg.gather [hbm4b:s7+s1], $0x80, v4, vm0, $0xb8;
	[tilespmem:$0x10200] =	vst v63  }
0x26: {  	_ = 	snop  }
0x27: {  	[tilespmem:s29], [sflag:$0x1] =	stream.indirect_vreg.gather [hbm4b:s3+s1], $0x80, v3, vm0, $0xb8;
	[tilespmem:$0x10200] =	vst v63  }
0x28: {  	_ = 	snop  }
0x29: {  	[tilespmem:s30], [sflag:$0x1] =	stream.indirect_vreg.gather [hbm4b:s5+s1], $0x80, v3, vm0, $0xb8;
	[tilespmem:$0x10200] =	vst v63  }
0x2a: {  	_ = 	snop  }
0x2b: {  	[tilespmem:s31], [sflag:$0x1] =	stream.indirect_vreg.gather [hbm4b:s6+s1], $0x80, v3, vm0, $0xb8;
	[tilespmem:$0x10200] =	vst v63  }
0x2c: {  	s0 =	simm.s32 $0x3A00  }
0x2d: {  	[tilespmem:s0], [sflag:$0x1] =	stream.indirect_vreg.gather [hbm4b:s7+s1], $0x80, v3, vm0, $0xb8;
	[tilespmem:$0x10200] =	vst v63  }
0x2e: {  	v3 =	vld [tilespmem:$0x10];
	_ =	sdelay $0x4  }
0x2f: {  	v57 =	vshll.u32 v3, $0x3  }
0x30: {  	v3 =	vand.u32 $0x7, v3;
	v4 =	vand.u32 $0xFFFFFFC0, v57  }
0x31: {  	v3 =	vor.u32 v3, v4  }
0x32: {  	v4 =	vperm.xlane v3, v0;
	_ =	sdelay $0x1  }
0x33: {  	v4 =	vadd.s32 v1, v4;
	_ =	sdelay $0x4  }
0x34: {  	[tilespmem:s2], [sflag:$0x1] =	stream.indirect_vreg.gather [hbm4b:s3+s1], $0x80, v4, vm0, $0xb8;
	[tilespmem:$0x10200] =	vst v63  }
0x35: {  	v3 =	vperm.xlane v3, v2  }
0x36: {  	[tilespmem:s11], [sflag:$0x1] =	stream.indirect_vreg.gather [hbm4b:s5+s1], $0x80, v4, vm0, $0xb8;
	[tilespmem:$0x10200] =	vst v63  }
0x37: {  	v3 =	vadd.s32 v1, v3  }
0x38: {  	[tilespmem:s12], [sflag:$0x1] =	stream.indirect_vreg.gather [hbm4b:s6+s1], $0x80, v4, vm0, $0xb8;
	[tilespmem:$0x10200] =	vst v63  }
0x39: {  	_ = 	snop  }
0x3a: {  	[tilespmem:s13], [sflag:$0x1] =	stream.indirect_vreg.gather [hbm4b:s7+s1], $0x80, v4, vm0, $0xb8;
	[tilespmem:$0x10200] =	vst v63  }
0x3b: {  	_ = 	snop  }
0x3c: {  	[tilespmem:s14], [sflag:$0x1] =	stream.indirect_vreg.gather [hbm4b:s3+s1], $0x80, v3, vm0, $0xb8;
	[tilespmem:$0x10200] =	vst v63  }
0x3d: {  	_ = 	snop  }
0x3e: {  	[tilespmem:s15], [sflag:$0x1] =	stream.indirect_vreg.gather [hbm4b:s5+s1], $0x80, v3, vm0, $0xb8;
	[tilespmem:$0x10200] =	vst v63  }
0x3f: {  	_ = 	snop  }
0x40: {  	[tilespmem:s16], [sflag:$0x1] =	stream.indirect_vreg.gather [hbm4b:s6+s1], $0x80, v3, vm0, $0xb8;
	[tilespmem:$0x10200] =	vst v63  }
0x41: {  	_ = 	snop  }
0x42: {  	[tilespmem:s17], [sflag:$0x1] =	stream.indirect_vreg.gather [hbm4b:s7+s1], $0x80, v3, vm0, $0xb8;
	[tilespmem:$0x10200] =	vst v63  }
0x43: {  	v3 =	vld [tilespmem:$0x80];
	_ =	sdelay $0x4  }
0x44: {  	v58 =	vshll.u32 v3, $0x3  }
0x45: {  	v3 =	vand.u32 $0x7, v3;
	v4 =	vand.u32 $0xFFFFFFC0, v58  }
0x46: {  	v3 =	vor.u32 v3, v4  }
0x47: {  	v4 =	vperm.xlane v3, v0;
	_ =	sdelay $0x1  }
0x48: {  	v4 =	vadd.s32 v1, v4;
	_ =	sdelay $0x4  }
0x49: {  	[tilespmem:s20], [sflag:$0x2] =	stream.indirect_vreg.gather [hbm4b:s3+s1], $0x80, v4, vm0, $0xb8;
	[tilespmem:$0x10200] =	vst v63  }
0x4a: {  	v3 =	vperm.xlane v3, v2  }
0x4b: {  	[tilespmem:s18], [sflag:$0x2] =	stream.indirect_vreg.gather [hbm4b:s5+s1], $0x80, v4, vm0, $0xb8;
	[tilespmem:$0x10200] =	vst v63  }
0x4c: {  	v3 =	vadd.s32 v1, v3  }
0x4d: {  	[tilespmem:s19], [sflag:$0x2] =	stream.indirect_vreg.gather [hbm4b:s6+s1], $0x80, v4, vm0, $0xb8;
	[tilespmem:$0x10200] =	vst v63  }
0x4e: {  	s10 =	simm.s32 $0x9A00  }
0x4f: {  	[tilespmem:s10], [sflag:$0x2] =	stream.indirect_vreg.gather [hbm4b:s7+s1], $0x80, v4, vm0, $0xb8;
	[tilespmem:$0x10200] =	vst v63  }
0x50: {  	s10 =	simm.s32 $0xA200  }
0x51: {  	[tilespmem:s10], [sflag:$0x2] =	stream.indirect_vreg.gather [hbm4b:s3+s1], $0x80, v3, vm0, $0xb8;
	[tilespmem:$0x10200] =	vst v63  }
0x52: {  	s23 =	simm.s32 $0xAA00  }
0x53: {  	[tilespmem:s23], [sflag:$0x2] =	stream.indirect_vreg.gather [hbm4b:s5+s1], $0x80, v3, vm0, $0xb8;
	[tilespmem:$0x10200] =	vst v63  }
0x54: {  	s23 =	simm.s32 $0xB200  }
0x55: {  	[tilespmem:s23], [sflag:$0x2] =	stream.indirect_vreg.gather [hbm4b:s6+s1], $0x80, v3, vm0, $0xb8;
	[tilespmem:$0x10200] =	vst v63  }
0x56: {  	s23 =	simm.s32 $0xBA00  }
0x57: {  	[tilespmem:s23], [sflag:$0x2] =	stream.indirect_vreg.gather [hbm4b:s7+s1], $0x80, v3, vm0, $0xb8;
	[tilespmem:$0x10200] =	vst v63  }
0x58: {  	v3 =	vld [tilespmem:$0x90];
	_ =	sdelay $0x4  }
0x59: {  	v59 =	vshll.u32 v3, $0x3  }
0x5a: {  	v3 =	vand.u32 $0x7, v3;
	v4 =	vand.u32 $0xFFFFFFC0, v59  }
0x5b: {  	v3 =	vor.u32 v3, v4  }
0x5c: {  	v4 =	vperm.xlane v3, v0;
	_ =	sdelay $0x1  }
0x5d: {  	v4 =	vadd.s32 v1, v4;
	_ =	sdelay $0x3  }
0x5e: {  	s23 =	simm.s32 $0xC200  }
0x5f: {  	[tilespmem:s23], [sflag:$0x2] =	stream.indirect_vreg.gather [hbm4b:s3+s1], $0x80, v4, vm0, $0xb8;
	[tilespmem:$0x10200] =	vst v63  }
0x60: {  	v3 =	vperm.xlane v3, v2;
	s23 =	simm.s32 $0xCA00  }
0x61: {  	[tilespmem:s23], [sflag:$0x2] =	stream.indirect_vreg.gather [hbm4b:s5+s1], $0x80, v4, vm0, $0xb8;
	[tilespmem:$0x10200] =	vst v63  }
0x62: {  	v3 =	vadd.s32 v1, v3;
	s23 =	simm.s32 $0xD200  }
0x63: {  	[tilespmem:s23], [sflag:$0x2] =	stream.indirect_vreg.gather [hbm4b:s6+s1], $0x80, v4, vm0, $0xb8;
	[tilespmem:$0x10200] =	vst v63  }
0x64: {  	s23 =	simm.s32 $0xDA00  }
0x65: {  	[tilespmem:s23], [sflag:$0x2] =	stream.indirect_vreg.gather [hbm4b:s7+s1], $0x80, v4, vm0, $0xb8;
	[tilespmem:$0x10200] =	vst v63  }
0x66: {  	s23 =	simm.s32 $0xE200  }
0x67: {  	[tilespmem:s23], [sflag:$0x2] =	stream.indirect_vreg.gather [hbm4b:s3+s1], $0x80, v3, vm0, $0xb8;
	[tilespmem:$0x10200] =	vst v63  }
0x68: {  	s23 =	simm.s32 $0xEA00  }
0x69: {  	[tilespmem:s23], [sflag:$0x2] =	stream.indirect_vreg.gather [hbm4b:s5+s1], $0x80, v3, vm0, $0xb8;
	[tilespmem:$0x10200] =	vst v63  }
0x6a: {  	s23 =	simm.s32 $0xF200  }
0x6b: {  	[tilespmem:s23], [sflag:$0x2] =	stream.indirect_vreg.gather [hbm4b:s6+s1], $0x80, v3, vm0, $0xb8;
	[tilespmem:$0x10200] =	vst v63  }
0x6c: {  	s23 =	simm.s32 $0xFA00  }
0x6d: {  	[tilespmem:s23], [sflag:$0x2] =	stream.indirect_vreg.gather [hbm4b:s7+s1], $0x80, v3, vm0, $0xb8;
	[tilespmem:$0x10200] =	vst v63  }
0x6e: {  	_ =	swait.ge [sflag:s9], $0x8000  }
0x6f: {  	[sflag:s9] =	ssyncset.done $0x0  }
0x70: {  	s23 =	rddreg [dreg:$0x7];
	[sflag:s9] =	ssyncadd.s32 $0xFFFF8000  }
0x71: {  	[hbm4b:s23+s1] =	stream.linear.scatter [tilespmem:s26], [sflag:$0x3], $0x8000, $0x38;
	[tilespmem:$0x10200] =	vst v63  }
0x72: {  	_ =	swait.ge [sflag:s21], $0x8000  }
0x73: {  	[sflag:s21] =	ssyncset.done $0x0  }
0x74: {  	[sflag:s21] =	ssyncadd.s32 $0xFFFF8000  }
0x75: {  	v3 =	vld [tilespmem:$0x100];
	_ =	sdelay $0x4  }
0x76: {  	v60 =	vshll.u32 v3, $0x3  }
0x77: {  	v3 =	vand.u32 $0x7, v3;
	v4 =	vand.u32 $0xFFFFFFC0, v60  }
0x78: {  	v3 =	vor.u32 v3, v4  }
0x79: {  	v4 =	vperm.xlane v3, v0;
	_ =	sdelay $0x1  }
0x7a: {  	v4 =	vadd.s32 v1, v4;
	_ =	sdelay $0x4  }
0x7b: {  	[tilespmem:s26], [sflag:$0x1] =	stream.indirect_vreg.gather [hbm4b:s3+s1], $0x80, v4, vm0, $0xb8;
	[tilespmem:$0x10200] =	vst v63  }
0x7c: {  	v3 =	vperm.xlane v3, v2  }
0x7d: {  	[tilespmem:s24], [sflag:$0x1] =	stream.indirect_vreg.gather [hbm4b:s5+s1], $0x80, v4, vm0, $0xb8;
	[tilespmem:$0x10200] =	vst v63  }
0x7e: {  	v3 =	vadd.s32 v1, v3  }
0x7f: {  	[tilespmem:s25], [sflag:$0x1] =	stream.indirect_vreg.gather [hbm4b:s6+s1], $0x80, v4, vm0, $0xb8;
	[tilespmem:$0x10200] =	vst v63  }
0x80: {  	_ = 	snop  }
0x81: {  	[tilespmem:s28], [sflag:$0x1] =	stream.indirect_vreg.gather [hbm4b:s7+s1], $0x80, v4, vm0, $0xb8;
	[tilespmem:$0x10200] =	vst v63  }
0x82: {  	_ = 	snop  }
0x83: {  	[tilespmem:s29], [sflag:$0x1] =	stream.indirect_vreg.gather [hbm4b:s3+s1], $0x80, v3, vm0, $0xb8;
	[tilespmem:$0x10200] =	vst v63  }
0x84: {  	_ = 	snop  }
0x85: {  	[tilespmem:s30], [sflag:$0x1] =	stream.indirect_vreg.gather [hbm4b:s5+s1], $0x80, v3, vm0, $0xb8;
	[tilespmem:$0x10200] =	vst v63  }
0x86: {  	_ = 	snop  }
0x87: {  	[tilespmem:s31], [sflag:$0x1] =	stream.indirect_vreg.gather [hbm4b:s6+s1], $0x80, v3, vm0, $0xb8;
	[tilespmem:$0x10200] =	vst v63  }
0x88: {  	_ = 	snop  }
0x89: {  	[tilespmem:s0], [sflag:$0x1] =	stream.indirect_vreg.gather [hbm4b:s7+s1], $0x80, v3, vm0, $0xb8;
	[tilespmem:$0x10200] =	vst v63  }
0x8a: {  	v3 =	vld [tilespmem:$0x110];
	_ =	sdelay $0x4  }
0x8b: {  	v61 =	vshll.u32 v3, $0x3  }
0x8c: {  	v3 =	vand.u32 $0x7, v3;
	v4 =	vand.u32 $0xFFFFFFC0, v61  }
0x8d: {  	v3 =	vor.u32 v3, v4  }
0x8e: {  	v4 =	vperm.xlane v3, v0;
	_ =	sdelay $0x1  }
0x8f: {  	v4 =	vadd.s32 v1, v4;
	_ =	sdelay $0x4  }
0x90: {  	[tilespmem:s2], [sflag:$0x1] =	stream.indirect_vreg.gather [hbm4b:s3+s1], $0x80, v4, vm0, $0xb8;
	[tilespmem:$0x10200] =	vst v63  }
0x91: {  	v3 =	vperm.xlane v3, v2  }
0x92: {  	[tilespmem:s11], [sflag:$0x1] =	stream.indirect_vreg.gather [hbm4b:s5+s1], $0x80, v4, vm0, $0xb8;
	[tilespmem:$0x10200] =	vst v63  }
0x93: {  	v3 =	vadd.s32 v1, v3  }
0x94: {  	[tilespmem:s12], [sflag:$0x1] =	stream.indirect_vreg.gather [hbm4b:s6+s1], $0x80, v4, vm0, $0xb8;
	[tilespmem:$0x10200] =	vst v63  }
0x95: {  	_ = 	snop  }
0x96: {  	[tilespmem:s13], [sflag:$0x1] =	stream.indirect_vreg.gather [hbm4b:s7+s1], $0x80, v4, vm0, $0xb8;
	[tilespmem:$0x10200] =	vst v63  }
0x97: {  	_ = 	snop  }
0x98: {  	[tilespmem:s14], [sflag:$0x1] =	stream.indirect_vreg.gather [hbm4b:s3+s1], $0x80, v3, vm0, $0xb8;
	[tilespmem:$0x10200] =	vst v63  }
0x99: {  	_ = 	snop  }
0x9a: {  	[tilespmem:s15], [sflag:$0x1] =	stream.indirect_vreg.gather [hbm4b:s5+s1], $0x80, v3, vm0, $0xb8;
	[tilespmem:$0x10200] =	vst v63  }
0x9b: {  	_ = 	snop  }
0x9c: {  	[tilespmem:s16], [sflag:$0x1] =	stream.indirect_vreg.gather [hbm4b:s6+s1], $0x80, v3, vm0, $0xb8;
	[tilespmem:$0x10200] =	vst v63  }
0x9d: {  	_ = 	snop  }
0x9e: {  	[tilespmem:s17], [sflag:$0x1] =	stream.indirect_vreg.gather [hbm4b:s7+s1], $0x80, v3, vm0, $0xb8;
	[tilespmem:$0x10200] =	vst v63  }
0x9f: {  	_ =	swait.ge [sflag:s4], $0x8000  }
0xa0: {  	[sflag:s4] =	ssyncset.done $0x0  }
0xa1: {  	s0 =	rddreg [dreg:$0x4];
	[sflag:s4] =	ssyncadd.s32 $0xFFFF8000  }
0xa2: {  	[hbm4b:s0+s1] =	stream.linear.scatter [tilespmem:s20], [sflag:$0x4], $0x8000, $0x38;
	[tilespmem:$0x10200] =	vst v63  }
0xa3: {  	_ =	swait.ge [sflag:s22], $0x8000  }
0xa4: {  	[sflag:s22] =	ssyncset.done $0x0  }
0xa5: {  	[sflag:s22] =	ssyncadd.s32 $0xFFFF8000  }
0xa6: {  	v3 =	vld [tilespmem:$0x180];
	_ =	sdelay $0x4  }
0xa7: {  	v62 =	vshll.u32 v3, $0x3  }
0xa8: {  	v3 =	vand.u32 $0x7, v3;
	v4 =	vand.u32 $0xFFFFFFC0, v62  }
0xa9: {  	v3 =	vor.u32 v3, v4  }
0xaa: {  	v4 =	vperm.xlane v3, v0;
	_ =	sdelay $0x1  }
0xab: {  	v4 =	vadd.s32 v1, v4;
	_ =	sdelay $0x4  }
0xac: {  	[tilespmem:s20], [sflag:$0x2] =	stream.indirect_vreg.gather [hbm4b:s3+s1], $0x80, v4, vm0, $0xb8;
	[tilespmem:$0x10200] =	vst v63  }
0xad: {  	v3 =	vperm.xlane v3, v2  }
0xae: {  	[tilespmem:s18], [sflag:$0x2] =	stream.indirect_vreg.gather [hbm4b:s5+s1], $0x80, v4, vm0, $0xb8;
	[tilespmem:$0x10200] =	vst v63  }
0xaf: {  	v3 =	vadd.s32 v1, v3  }
0xb0: {  	[tilespmem:s19], [sflag:$0x2] =	stream.indirect_vreg.gather [hbm4b:s6+s1], $0x80, v4, vm0, $0xb8;
	[tilespmem:$0x10200] =	vst v63  }
0xb1: {  	s23 =	simm.s32 $0x9A00  }
0xb2: {  	[tilespmem:s23], [sflag:$0x2] =	stream.indirect_vreg.gather [hbm4b:s7+s1], $0x80, v4, vm0, $0xb8;
	[tilespmem:$0x10200] =	vst v63  }
0xb3: {  	_ = 	snop  }
0xb4: {  	[tilespmem:s10], [sflag:$0x2] =	stream.indirect_vreg.gather [hbm4b:s3+s1], $0x80, v3, vm0, $0xb8;
	[tilespmem:$0x10200] =	vst v63  }
0xb5: {  	s23 =	simm.s32 $0xAA00  }
0xb6: {  	[tilespmem:s23], [sflag:$0x2] =	stream.indirect_vreg.gather [hbm4b:s5+s1], $0x80, v3, vm0, $0xb8;
	[tilespmem:$0x10200] =	vst v63  }
0xb7: {  	s10 =	simm.s32 $0xB200  }
0xb8: {  	[tilespmem:s10], [sflag:$0x2] =	stream.indirect_vreg.gather [hbm4b:s6+s1], $0x80, v3, vm0, $0xb8;
	[tilespmem:$0x10200] =	vst v63  }
0xb9: {  	s23 =	simm.s32 $0xBA00  }
0xba: {  	[tilespmem:s23], [sflag:$0x2] =	stream.indirect_vreg.gather [hbm4b:s7+s1], $0x80, v3, vm0, $0xb8;
	[tilespmem:$0x10200] =	vst v63  }
0xbb: {  	v3 =	vld [tilespmem:$0x190];
	_ =	sdelay $0x4  }
0xbc: {  	v63 =	vshll.u32 v3, $0x3  }
0xbd: {  	v3 =	vand.u32 $0x7, v3;
	v4 =	vand.u32 $0xFFFFFFC0, v63  }
0xbe: {  	v3 =	vor.u32 v3, v4  }
0xbf: {  	v4 =	vperm.xlane v3, v0;
	_ =	sdelay $0x1  }
0xc0: {  	v4 =	vadd.s32 v1, v4;
	_ =	sdelay $0x3  }
0xc1: {  	s10 =	simm.s32 $0xC200  }
0xc2: {  	[tilespmem:s10], [sflag:$0x2] =	stream.indirect_vreg.gather [hbm4b:s3+s1], $0x80, v4, vm0, $0xb8;
	[tilespmem:$0x10200] =	vst v63  }
0xc3: {  	s23 =	simm.s32 $0xCA00;
	v3 =	vperm.xlane v3, v2  }
0xc4: {  	[tilespmem:s23], [sflag:$0x2] =	stream.indirect_vreg.gather [hbm4b:s5+s1], $0x80, v4, vm0, $0xb8;
	[tilespmem:$0x10200] =	vst v63  }
0xc5: {  	v3 =	vadd.s32 v1, v3;
	s10 =	simm.s32 $0xD200  }
0xc6: {  	[tilespmem:s10], [sflag:$0x2] =	stream.indirect_vreg.gather [hbm4b:s6+s1], $0x80, v4, vm0, $0xb8;
	[tilespmem:$0x10200] =	vst v63  }
0xc7: {  	s23 =	simm.s32 $0xDA00  }
0xc8: {  	[tilespmem:s23], [sflag:$0x2] =	stream.indirect_vreg.gather [hbm4b:s7+s1], $0x80, v4, vm0, $0xb8;
	[tilespmem:$0x10200] =	vst v63  }
0xc9: {  	s10 =	simm.s32 $0xE200  }
0xca: {  	[tilespmem:s10], [sflag:$0x2] =	stream.indirect_vreg.gather [hbm4b:s3+s1], $0x80, v3, vm0, $0xb8;
	[tilespmem:$0x10200] =	vst v63  }
0xcb: {  	s23 =	simm.s32 $0xEA00  }
0xcc: {  	[tilespmem:s23], [sflag:$0x2] =	stream.indirect_vreg.gather [hbm4b:s5+s1], $0x80, v3, vm0, $0xb8;
	[tilespmem:$0x10200] =	vst v63  }
0xcd: {  	s10 =	simm.s32 $0xF200  }
0xce: {  	[tilespmem:s10], [sflag:$0x2] =	stream.indirect_vreg.gather [hbm4b:s6+s1], $0x80, v3, vm0, $0xb8;
	[tilespmem:$0x10200] =	vst v63  }
0xcf: {  	s23 =	simm.s32 $0xFA00  }
0xd0: {  	[tilespmem:s23], [sflag:$0x2] =	stream.indirect_vreg.gather [hbm4b:s7+s1], $0x80, v3, vm0, $0xb8;
	[tilespmem:$0x10200] =	vst v63  }
0xd1: {  	_ =	swait.ge [sflag:s9], $0x8000  }
0xd2: {  	[sflag:s9] =	ssyncset.done $0x0  }
0xd3: {  	s0 =	rddreg [dreg:$0x5];
	[sflag:s9] =	ssyncadd.s32 $0xFFFF8000  }
0xd4: {  	[hbm4b:s0+s1] =	stream.linear.scatter [tilespmem:s26], [sflag:$0x3], $0x8000, $0x38;
	[tilespmem:$0x10200] =	vst v63  }
0xd5: {  	_ =	swait.ge [sflag:s4], $0x8000  }
0xd6: {  	[sflag:s4] =	ssyncset.done $0x0  }
0xd7: {  	s10 =	rddreg [dreg:$0x6];
	[sflag:s4] =	ssyncadd.s32 $0xFFFF8000  }
0xd8: {  	[hbm4b:s10+s1] =	stream.linear.scatter [tilespmem:s20], [sflag:$0x4], $0x8000, $0x38;
	[tilespmem:$0x10200] =	vst v63  }
0xd9: {  	p0 =	sne.s32 s8, $0x1;
	_ =	swait.ge [sflag:s21], $0x8000  }
.Ltmp0:
0xda: {  	[sflag:s21] =	ssyncset.done $0x0;
	(pc) =	sbr.rel @p0 .LBB2_1-.Ltmp0, $4  }
0xdb: {  	[sflag:s21] =	ssyncadd.s32 $0xFFFF8000  }
0xdc: {  	_ =	swait.ge [sflag:s22], $0x8000  }
0xdd: {  	[sflag:s22] =	ssyncset.done $0x0  }
0xde: {  	s8 =	sadd.s32 $0xFFFFFFFF, s8;
	[sflag:s22] =	ssyncadd.s32 $0xFFFF8000  }
0xdf: {  	_ =	sfence.sel $0x180000  }
0xe0: {  	[bflag:$0x0] =	sbarrier.arrive $0xFFFF  }
0xe1: {  	_ =	strace $0x9000004A  }
0xe2: {  	s0 =	stileid.u32;
	[bflag:$0x2] =	sbarrier.arrive $0xFFFF  }
0xe3: {  	p0 =	sne.s32 s0, $0x0;
	s0 =	rddreg [dreg:$0x2]  }
0xe4: {  	s0 =	sadd.s32 @!p0 $0x100000, s0  }
0xe5: {  	[sflag:s0] =	ssyncadd.tile.s32 @!p0 $0x1;
	_ =	shalt  }
.Lfunc_end2:
_tile_overlayer_lowered:
.L_overlay_start_2:
0xe6: {  	(tag) =	ssettag $0x2  }
0xe7: {  	s0 =	rddreg [dreg:$0x0];
	s2 =	stileid.u32  }
0xe8: {  	s1 =	rddreg [dreg:$0x1];
	p0 =	sne.s32 s2, $0x0  }
0xe9: {  	s3 =	rddreg [dreg:$0x2];
	[bflag:$0x3] =	sbarrier.arrive $0xFFFF;
	s2 =	simm.s32 @!p0 $0x1C05  }
0xea: {  	[timem:s3], [sflag:s2] =	dma.local @!p0 [hbm:s0], s1  }
0xeb: {  	s0 =	simm.s32 @!p0 $0x5  }
0xec: {  	_ =	swait.ge @!p0 [sflag:s0], s1  }
0xed: {  	s1 =	ssub.s32 @!p0 $0x0, s1;
	[sflag:s0] =	ssyncset.done @!p0 $0x0  }
0xee: {  	[sflag:s0] =	ssyncadd.s32 @!p0 s1  }
0xef: {  	[bflag:$0x3] =	sbarrier.arrive $0xFFFF  }
0xf0: {  	_ =	shalt  }

</sc_bundles>
